<compile_context>
chip_gen: v7x
topology: tpu7x:2x2x1
jax: 0.10.2.dev20260603
libtpu: 0.0.44.dev20260713+nightly
codegen_flags: <defaults>
</compile_context>

<pallas_src>
import functools
import math

import jax
import jax.numpy as jnp
from jax import lax
from jax.experimental import pallas as pl
from jax.experimental.pallas import tpu as pltpu
from jax.experimental.pallas import tpu_sc as plsc

B, C, D = 1024, 100000, 128
S = 30.0
M = 0.3
COS_M = math.cos(M)
SIN_M = math.sin(M)
TH = math.cos(math.pi - M)
MM = math.sin(math.pi - M) * M

N_BLK = 10240
CHUNK = 512
K_GRID = -(-C // N_BLK)

SC_NC, SC_NS = 2, 16
SC_NW = SC_NC * SC_NS
B_PER_W = B // SC_NW


def _sc_gather_body(table_hbm, idx_hbm, out_hbm, idx_v, rows_v, sem):
    wid = lax.axis_index("s") * SC_NC + lax.axis_index("c")
    base = wid * B_PER_W
    pltpu.sync_copy(idx_hbm.at[pl.ds(base, B_PER_W)], idx_v)
    pltpu.async_copy(table_hbm.at[idx_v], rows_v, sem).wait()
    pltpu.sync_copy(rows_v, out_hbm.at[pl.ds(base, B_PER_W)])


_sc_gather = functools.partial(
    pl.kernel,
    out_type=jax.ShapeDtypeStruct((B, D), jnp.float32),
    mesh=plsc.VectorSubcoreMesh(core_axis_name="c", subcore_axis_name="s"),
    scratch_types=[
        pltpu.VMEM((B_PER_W,), jnp.int32),
        pltpu.VMEM((B_PER_W, D), jnp.float32),
        pltpu.SemaphoreType.DMA,
    ],
)(_sc_gather_body)


LOG2E = math.log2(math.e)


def _oim_body(x_ref, feats_ref, se_ref, xs_scr, se_scr):
    i = pl.program_id(0)

    @pl.when(i == 0)
    def _init():
        x = x_ref[...]
        nrm = jnp.sqrt(jnp.sum(x * x, axis=1, keepdims=True))
        xs_scr[...] = (x * ((S * LOG2E) / jnp.clip(nrm, 1e-12))
                       ).astype(jnp.bfloat16)
        se_scr[...] = jnp.zeros_like(se_scr)

    def _tree_sum_128(v):
        parts = [v[:, k * 128:(k + 1) * 128] for k in range(v.shape[1] // 128)]
        while len(parts) > 1:
            nxt = [parts[k] + parts[k + 1] for k in range(0, len(parts) - 1, 2)]
            if len(parts) % 2:
                nxt.append(parts[-1])
            parts = nxt
        return parts[0]

    fb = feats_ref[...].astype(jnp.bfloat16)
    xs = xs_scr[...]
    acc = None
    for c in range(N_BLK // CHUNK):
        yc = lax.dot_general(xs, fb[c * CHUNK:(c + 1) * CHUNK, :],
                             (((1,), (1,)), ((), ())),
                             preferred_element_type=jnp.float32)
        ec = jnp.exp2(yc.astype(jnp.bfloat16))
        if (K_GRID - 1) * N_BLK + (c + 1) * CHUNK > C:
            col = (i * N_BLK + c * CHUNK
                   + lax.broadcasted_iota(jnp.int32, (B, CHUNK), 1))
            ec = jnp.where(col < C, ec, jnp.bfloat16(0.0))
        part = _tree_sum_128(ec)
        acc = part if acc is None else acc + part
    se_scr[...] += acc.astype(jnp.float32)

    @pl.when(i == K_GRID - 1)
    def _writeback():
        se_ref[...] = se_scr[...]


def _epilogue_body(x_ref, ft_ref, se_ref, out_ref):
    x = x_ref[...]
    xn = x / jnp.clip(jnp.sqrt(jnp.sum(x * x, axis=1, keepdims=True)),
                      1e-12)
    cos_t = jnp.sum(xn * ft_ref[...], axis=1, keepdims=True)
    sine = jnp.sqrt(jnp.clip(1.0 - cos_t * cos_t, 0.0, 1.0))
    phi = cos_t * COS_M - sine * SIN_M
    phi = jnp.where(cos_t > TH, phi, cos_t - MM)
    se = (jnp.sum(se_ref[...], axis=1, keepdims=True)
          + jnp.exp(S * phi) - jnp.exp(S * cos_t))
    lse = jnp.log(se)
    loss = jnp.mean(lse - S * phi)
    out_ref[...] = jnp.full((1, 1), loss, dtype=jnp.float32)


def kernel(inputs, targets, features):
    ft = _sc_gather(features, targets)
    se = pl.pallas_call(
        _oim_body,
        grid=(K_GRID,),
        in_specs=[
            pl.BlockSpec((B, D), lambda i: (0, 0)),
            pl.BlockSpec((N_BLK, D), lambda i: (i, 0)),
        ],
        out_specs=pl.BlockSpec((B, 128), lambda i: (0, 0)),
        out_shape=jax.ShapeDtypeStruct((B, 128), jnp.float32),
        scratch_shapes=[
            pltpu.VMEM((B, D), jnp.bfloat16),
            pltpu.VMEM((B, 128), jnp.float32),
        ],
        compiler_params=pltpu.CompilerParams(
            dimension_semantics=("arbitrary",),
        ),
    )(inputs, features)
    out = pl.pallas_call(
        _epilogue_body,
        out_shape=jax.ShapeDtypeStruct((1, 1), jnp.float32),
    )(inputs, ft, se)
    return out[0, 0]

# --- scband reference (transcript-rebuilt; emitter-appended) ---
"""Pipeline reference for scband-oimloss-arc-43001212568000 (READ-ONLY COPY).

The authoritative reference and input builder live on the scoring server;
editing this copy changes nothing except your own understanding.
"""

import jax, jax.numpy as jnp
import numpy as np
import math

B, C, D = 1024, 100000, 128

def setup_inputs(seed: int = 0):
    key = jax.random.key(seed)
    k1, k2, k3 = jax.random.split(key, 3)
    inputs = jax.random.normal(k1, (B, D), dtype=jnp.float32)
    targets = jax.random.randint(k2, (B,), 0, C, dtype=jnp.int32)
    feats = jax.random.normal(k3, (C, D), dtype=jnp.float32)
    feats = feats / jnp.clip(jnp.linalg.norm(feats, axis=1, keepdims=True), 1e-12)
    return {"inputs": inputs, "targets": targets, "features": feats}

def reference(inputs, targets, features):
    s = 30.0
    m = 0.3
    cos_m = math.cos(m)
    sin_m = math.sin(m)
    th = math.cos(math.pi - m)
    mm = math.sin(math.pi - m) * m
    # F.normalize(inputs, dim=1)
    x = inputs / jnp.clip(jnp.linalg.norm(inputs, axis=1, keepdims=True), 1e-12)
    # OIM forward: inputs.mm(features.t())
    cosine = x @ features.T
    sine = jnp.sqrt(jnp.clip(1.0 - jnp.power(cosine, 2), 0.0, 1.0))
    phi = cosine * cos_m - sine * sin_m
    phi = jnp.where(cosine > th, phi, cosine - mm)
    # one_hot scatter_(1, targets, 1)
    one_hot = jnp.zeros_like(cosine).at[jnp.arange(cosine.shape[0]), targets].set(1.0)
    output = (one_hot * phi + (1.0 - one_hot) * cosine) * s
    # F.cross_entropy(output, targets)
    lse = jax.scipy.special.logsumexp(output, axis=1)
    tgt_logit = jnp.take_along_axis(output, targets[:, None], axis=1)[:, 0]
    loss = jnp.mean(lse - tgt_logit)
    return loss

if __name__ == "__main__":
    import jax
    _d = setup_inputs()
    print(jax.jit(kernel)(*tuple(_d.values())))

</pallas_src>

<mosaic_0001>
#map = affine_map<(d0, d1) -> (0, 0)>
#map1 = affine_map<(d0, d1) -> (0)>
module attributes {stable_mosaic.version = 14 : i64} {
  func.func @_sc_gather_body(%arg0: i32, %arg1: i32, %arg2: memref<100000x128xf32, #tpu.memory_space<hbm>>, %arg3: memref<1024xi32, #tpu.memory_space<hbm>>, %arg4: memref<1024x128xf32, #tpu.memory_space<hbm>>, %arg5: memref<32xi32, #tpu.memory_space<vmem>>, %arg6: memref<32x128xf32, #tpu.memory_space<vmem>>, %arg7: memref<!tpu.dma_semaphore, #tpu.memory_space<semaphore_mem>>) attributes {dimension_semantics = [#tpu.dimension_semantics<core_parallel>, #tpu.dimension_semantics<subcore_parallel>], iteration_bounds = array<i64: 2, 16>, scalar_prefetch = 0 : i64, scratch_operands = 3 : i64, tpu.core_type = #tpu.core_type<sc_vector_subcore>, window_params = [{transform_indices = #map}, {transform_indices = #map1}, {transform_indices = #map}]} {
    %mul3A = arith.constant 2 : i32
    %mul3A_0 = arith.muli %arg1, %mul3A : i32
    %add3A = arith.addi %mul3A_0, %arg0 : i32
    %mul3A_1 = arith.constant 32 : i32
    %mul3A_2 = arith.muli %add3A, %mul3A_1 : i32
    "tpu.region"() ({
      %run_scoped3A = tpu.sem_alloc : memref<!tpu.dma_semaphore, #tpu.memory_space<semaphore_mem>>
      %dma_start3A_7 = tpu.memref_slice %arg3[%mul3A_2] : memref<1024xi32, #tpu.memory_space<hbm>> -> memref<32xi32, #tpu.memory_space<hbm>>
      %dma_start3A_8 = tpu.memref_slice %arg3[%mul3A_2] : memref<1024xi32, #tpu.memory_space<hbm>> -> memref<32xi32, #tpu.memory_space<hbm>>
      tpu.enqueue_dma source(%dma_start3A_8 : memref<32xi32, #tpu.memory_space<hbm>>) target(%arg5 : memref<32xi32, #tpu.memory_space<vmem>>) target_semaphore(%run_scoped3A : memref<!tpu.dma_semaphore, #tpu.memory_space<semaphore_mem>>)
      %dma_wait3A_9 = tpu.memref_slice %arg3[%mul3A_2] : memref<1024xi32, #tpu.memory_space<hbm>> -> memref<32xi32, #tpu.memory_space<hbm>>
      %dma_wait3A_10 = tpu.memref_slice %arg3[%mul3A_2] : memref<1024xi32, #tpu.memory_space<hbm>> -> memref<32xi32, #tpu.memory_space<hbm>>
      tpu.wait_dma2 semaphore(%run_scoped3A : memref<!tpu.dma_semaphore, #tpu.memory_space<semaphore_mem>>) src(%dma_wait3A_10 : memref<32xi32, #tpu.memory_space<hbm>>) dst(%arg5 : memref<32xi32, #tpu.memory_space<vmem>>)
      tpu.yield
    }) : () -> ()
    %dma_start3A = arith.constant 0 : i32
    %dma_start3A_3 = arith.constant 0 : i32
    %dma_start3A_4 = tpu.memref_slice %arg2[%dma_start3A, %dma_start3A_3] : memref<100000x128xf32, #tpu.memory_space<hbm>> -> memref<100000x128xf32, #tpu.memory_space<hbm>>
    tpu.enqueue_indirect_dma source(%dma_start3A_4 : memref<100000x128xf32, #tpu.memory_space<hbm>>) target(%arg6 : memref<32x128xf32, #tpu.memory_space<vmem>>) offsets(%arg5 : memref<32xi32, #tpu.memory_space<vmem>>) semaphore(%arg7 : memref<!tpu.dma_semaphore, #tpu.memory_space<semaphore_mem>>)
    %dma_wait3A = arith.constant 0 : i32
    %dma_wait3A_5 = arith.constant 0 : i32
    %dma_wait3A_6 = tpu.memref_slice %arg2[%dma_wait3A, %dma_wait3A_5] : memref<100000x128xf32, #tpu.memory_space<hbm>> -> memref<100000x128xf32, #tpu.memory_space<hbm>>
    tpu.wait_indirect_dma semaphore(%arg7 : memref<!tpu.dma_semaphore, #tpu.memory_space<semaphore_mem>>) src(%dma_wait3A_6 : memref<100000x128xf32, #tpu.memory_space<hbm>>) dst(%arg6 : memref<32x128xf32, #tpu.memory_space<vmem>>)
    "tpu.region"() ({
      %run_scoped3A = tpu.sem_alloc : memref<!tpu.dma_semaphore, #tpu.memory_space<semaphore_mem>>
      %dma_start3A_7 = arith.constant 0 : i32
      %dma_start3A_8 = tpu.memref_slice %arg4[%mul3A_2, %dma_start3A_7] : memref<1024x128xf32, #tpu.memory_space<hbm>> -> memref<32x128xf32, #tpu.memory_space<hbm>>
      %dma_start3A_9 = arith.constant 0 : i32
      %dma_start3A_10 = tpu.memref_slice %arg4[%mul3A_2, %dma_start3A_9] : memref<1024x128xf32, #tpu.memory_space<hbm>> -> memref<32x128xf32, #tpu.memory_space<hbm>>
      tpu.enqueue_dma source(%arg6 : memref<32x128xf32, #tpu.memory_space<vmem>>) target(%dma_start3A_10 : memref<32x128xf32, #tpu.memory_space<hbm>>) target_semaphore(%run_scoped3A : memref<!tpu.dma_semaphore, #tpu.memory_space<semaphore_mem>>)
      %dma_wait3A_11 = arith.constant 0 : i32
      %dma_wait3A_12 = tpu.memref_slice %arg4[%mul3A_2, %dma_wait3A_11] : memref<1024x128xf32, #tpu.memory_space<hbm>> -> memref<32x128xf32, #tpu.memory_space<hbm>>
      %dma_wait3A_13 = arith.constant 0 : i32
      %dma_wait3A_14 = tpu.memref_slice %arg4[%mul3A_2, %dma_wait3A_13] : memref<1024x128xf32, #tpu.memory_space<hbm>> -> memref<32x128xf32, #tpu.memory_space<hbm>>
      tpu.wait_dma2 semaphore(%run_scoped3A : memref<!tpu.dma_semaphore, #tpu.memory_space<semaphore_mem>>) src(%arg6 : memref<32x128xf32, #tpu.memory_space<vmem>>) dst(%dma_wait3A_14 : memref<32x128xf32, #tpu.memory_space<hbm>>)
      tpu.yield
    }) : () -> ()
    return
  }
}

module attributes {stable_mosaic.version = 14 : i64} {
  func.func @_epilogue_body(%arg0: memref<1024x128xf32, #tpu.memory_space<vmem>>, %arg1: memref<1024x128xf32, #tpu.memory_space<vmem>>, %arg2: memref<1024x128xf32, #tpu.memory_space<vmem>>, %arg3: memref<1x1xf32, #tpu.memory_space<vmem>>) attributes {dimension_semantics = [], scalar_prefetch = 0 : i64, scratch_operands = 0 : i64, tpu.core_type = #tpu.core_type<tc>} {
    %get3A = arith.constant 0 : index
    %get3A_0 = arith.constant 0 : index
    %get3A_1 = vector.load %arg0[%get3A, %get3A_0] : memref<1024x128xf32, #tpu.memory_space<vmem>>, vector<1024x128xf32>
    %mul3A = arith.mulf %get3A_1, %get3A_1 : vector<1024x128xf32>
    %reduce_sum3A = arith.constant dense<0.000000e+00> : vector<1024xf32>
    %reduce_sum3A_2 = vector.multi_reduction <add>, %mul3A, %reduce_sum3A [1] : vector<1024x128xf32> to vector<1024xf32>
    %broadcast_in_dim3A = vector.shape_cast %reduce_sum3A_2 : vector<1024xf32> to vector<1024x1xf32>
    %sqrt3A = math.sqrt %broadcast_in_dim3A : vector<1024x1xf32>
    %jit3A = arith.constant 9.99999996E-13 : f32
    %max3A = vector.broadcast %jit3A : f32 to vector<1024x1xf32>
    %max3A_3 = arith.maximumf %max3A, %sqrt3A : vector<1024x1xf32>
    %div3A = vector.broadcast %max3A_3 : vector<1024x1xf32> to vector<1024x128xf32>
    %div3A_4 = arith.divf %get3A_1, %div3A : vector<1024x128xf32>
    %get3A_5 = arith.constant 0 : index
    %get3A_6 = arith.constant 0 : index
    %get3A_7 = vector.load %arg1[%get3A_5, %get3A_6] : memref<1024x128xf32, #tpu.memory_space<vmem>>, vector<1024x128xf32>
    %mul3A_8 = arith.mulf %div3A_4, %get3A_7 : vector<1024x128xf32>
    %reduce_sum3A_9 = arith.constant dense<0.000000e+00> : vector<1024xf32>
    %reduce_sum3A_10 = vector.multi_reduction <add>, %mul3A_8, %reduce_sum3A_9 [1] : vector<1024x128xf32> to vector<1024xf32>
    %broadcast_in_dim3A_11 = vector.shape_cast %reduce_sum3A_10 : vector<1024xf32> to vector<1024x1xf32>
    %mul3A_12 = arith.mulf %broadcast_in_dim3A_11, %broadcast_in_dim3A_11 : vector<1024x1xf32>
    %sub3A = arith.constant 1.000000e+00 : f32
    %sub3A_13 = vector.broadcast %sub3A : f32 to vector<1024x1xf32>
    %sub3A_14 = arith.subf %sub3A_13, %mul3A_12 : vector<1024x1xf32>
    %jit3A_15 = arith.constant 0.000000e+00 : f32
    %jit3A_16 = arith.constant 1.000000e+00 : f32
    %max3A_17 = vector.broadcast %jit3A_15 : f32 to vector<1024x1xf32>
    %max3A_18 = arith.maximumf %max3A_17, %sub3A_14 : vector<1024x1xf32>
    %min3A = vector.broadcast %jit3A_16 : f32 to vector<1024x1xf32>
    %min3A_19 = arith.minimumf %min3A, %max3A_18 : vector<1024x1xf32>
    %sqrt3A_20 = math.sqrt %min3A_19 : vector<1024x1xf32>
    %mul3A_21 = arith.constant 0.955336511 : f32
    %mul3A_22 = vector.broadcast %mul3A_21 : f32 to vector<1024x1xf32>
    %mul3A_23 = arith.mulf %broadcast_in_dim3A_11, %mul3A_22 : vector<1024x1xf32>
    %mul3A_24 = arith.constant 0.295520216 : f32
    %mul3A_25 = vector.broadcast %mul3A_24 : f32 to vector<1024x1xf32>
    %mul3A_26 = arith.mulf %sqrt3A_20, %mul3A_25 : vector<1024x1xf32>
    %sub3A_27 = arith.subf %mul3A_23, %mul3A_26 : vector<1024x1xf32>
    %gt3A = arith.constant -0.955336511 : f32
    %gt3A_28 = vector.broadcast %gt3A : f32 to vector<1024x1xf32>
    %gt3A_29 = arith.cmpf ogt, %broadcast_in_dim3A_11, %gt3A_28 : vector<1024x1xf32>
    %sub3A_30 = arith.constant 0.0886560603 : f32
    %sub3A_31 = vector.broadcast %sub3A_30 : f32 to vector<1024x1xf32>
    %sub3A_32 = arith.subf %broadcast_in_dim3A_11, %sub3A_31 : vector<1024x1xf32>
    %select_n3A = arith.select %gt3A_29, %sub3A_27, %sub3A_32 : vector<1024x1xi1>, vector<1024x1xf32>
    %get3A_33 = arith.constant 0 : index
    %get3A_34 = arith.constant 0 : index
    %get3A_35 = vector.load %arg2[%get3A_33, %get3A_34] : memref<1024x128xf32, #tpu.memory_space<vmem>>, vector<1024x128xf32>
    %reduce_sum3A_36 = arith.constant dense<0.000000e+00> : vector<1024xf32>
    %reduce_sum3A_37 = vector.multi_reduction <add>, %get3A_35, %reduce_sum3A_36 [1] : vector<1024x128xf32> to vector<1024xf32>
    %broadcast_in_dim3A_38 = vector.shape_cast %reduce_sum3A_37 : vector<1024xf32> to vector<1024x1xf32>
    %mul3A_39 = arith.constant 3.000000e+01 : f32
    %mul3A_40 = vector.broadcast %mul3A_39 : f32 to vector<1024x1xf32>
    %mul3A_41 = arith.mulf %mul3A_40, %select_n3A : vector<1024x1xf32>
    %exp3A = math.exp %mul3A_41 : vector<1024x1xf32>
    %add3A = arith.addf %broadcast_in_dim3A_38, %exp3A : vector<1024x1xf32>
    %mul3A_42 = arith.constant 3.000000e+01 : f32
    %mul3A_43 = vector.broadcast %mul3A_42 : f32 to vector<1024x1xf32>
    %mul3A_44 = arith.mulf %mul3A_43, %broadcast_in_dim3A_11 : vector<1024x1xf32>
    %exp3A_45 = math.exp %mul3A_44 : vector<1024x1xf32>
    %sub3A_46 = arith.subf %add3A, %exp3A_45 : vector<1024x1xf32>
    %log3A = math.log %sub3A_46 : vector<1024x1xf32>
    %mul3A_47 = arith.constant 3.000000e+01 : f32
    %mul3A_48 = vector.broadcast %mul3A_47 : f32 to vector<1024x1xf32>
    %mul3A_49 = arith.mulf %mul3A_48, %select_n3A : vector<1024x1xf32>
    %sub3A_50 = arith.subf %log3A, %mul3A_49 : vector<1024x1xf32>
    %reduce_sum3A_51 = vector.shape_cast %sub3A_50 : vector<1024x1xf32> to vector<1x1024x1xf32>
    %reduce_sum3A_52 = arith.constant dense<0.000000e+00> : vector<1xf32>
    %reduce_sum3A_53 = vector.multi_reduction <add>, %reduce_sum3A_51, %reduce_sum3A_52 [1, 2] : vector<1x1024x1xf32> to vector<1xf32>
    %reduce_sum3A_54 = vector.shape_cast %reduce_sum3A_53 : vector<1xf32> to vector<1x1x1xf32>
    %reduce_sum3A_55 = vector.extract %reduce_sum3A_54[0, 0, 0] : f32 from vector<1x1x1xf32>
    %div3A_56 = arith.constant 1.024000e+03 : f32
    %div3A_57 = arith.divf %reduce_sum3A_55, %div3A_56 : f32
    %broadcast_in_dim3A_58 = vector.broadcast %div3A_57 : f32 to vector<1x1xf32>
    %swap3A = arith.constant 0 : index
    %swap3A_59 = arith.constant 0 : index
    %swap3A_60 = vector.load %arg3[%swap3A, %swap3A_59] : memref<1x1xf32, #tpu.memory_space<vmem>>, vector<1x1xf32>
    tpu.vector_store %arg3[%swap3A, %swap3A_59], %broadcast_in_dim3A_58 {strides = array<i32>} : memref<1x1xf32, #tpu.memory_space<vmem>>, vector<1x1xf32>,
    return
  }
}

module attributes {stable_mosaic.version = 14 : i64} {
  func.func @_oim_body(%arg0: i32, %arg1: memref<1024x128xf32, #tpu.memory_space<vmem>>, %arg2: memref<10240x128xf32, #tpu.memory_space<vmem>>, %arg3: memref<1024x128xf32, #tpu.memory_space<vmem>>, %arg4: memref<1024x128xbf16, #tpu.memory_space<vmem>>, %arg5: memref<1024x128xf32, #tpu.memory_space<vmem>>) attributes {dimension_semantics = [#tpu.dimension_semantics<arbitrary>], iteration_bounds = array<i64: 10>, scalar_prefetch = 0 : i64, scratch_operands = 2 : i64, tpu.core_type = #tpu.core_type<tc>, window_params = [{pipeline_mode = #tpu.pipeline_mode<synchronous>, transform_indices = @transform_0, window_bounds = array<i64: 1024, 128>}, {transform_indices = @transform_1, window_bounds = array<i64: 10240, 128>}, {pipeline_mode = #tpu.pipeline_mode<synchronous>, transform_indices = @transform_2, window_bounds = array<i64: 1024, 128>}]} {
    %eq3A = arith.constant 0 : i32
    %eq3A_0 = arith.cmpi eq, %arg0, %eq3A : i32
    %convert_element_type3A = arith.extui %eq3A_0 : i1 to i32
    %cond3A = arith.constant 0 : i32
    %cond3A_1 = arith.cmpi ne, %convert_element_type3A, %cond3A : i32
    scf.if %cond3A_1 {
      %get3A_334 = arith.constant 0 : index
      %get3A_335 = arith.constant 0 : index
      %get3A_336 = vector.load %arg1[%get3A_334, %get3A_335] : memref<1024x128xf32, #tpu.memory_space<vmem>>, vector<1024x128xf32>
      %mul3A_337 = arith.mulf %get3A_336, %get3A_336 : vector<1024x128xf32>
      %reduce_sum3A = arith.constant dense<0.000000e+00> : vector<1024xf32>
      %reduce_sum3A_338 = vector.multi_reduction <add>, %mul3A_337, %reduce_sum3A [1] : vector<1024x128xf32> to vector<1024xf32>
      %broadcast_in_dim3A_339 = vector.shape_cast %reduce_sum3A_338 : vector<1024xf32> to vector<1024x1xf32>
      %sqrt3A = math.sqrt %broadcast_in_dim3A_339 : vector<1024x1xf32>
      %jit3A_340 = arith.constant 9.99999996E-13 : f32
      %max3A = vector.broadcast %jit3A_340 : f32 to vector<1024x1xf32>
      %max3A_341 = arith.maximumf %max3A, %sqrt3A : vector<1024x1xf32>
      %div3A = arith.constant 43.2808495 : f32
      %div3A_342 = vector.broadcast %div3A : f32 to vector<1024x1xf32>
      %div3A_343 = arith.divf %div3A_342, %max3A_341 : vector<1024x1xf32>
      %mul3A_344 = vector.broadcast %div3A_343 : vector<1024x1xf32> to vector<1024x128xf32>
      %mul3A_345 = arith.mulf %get3A_336, %mul3A_344 : vector<1024x128xf32>
      %convert_element_type3A_346 = arith.truncf %mul3A_345 : vector<1024x128xf32> to vector<1024x128xbf16>
      %swap3A_347 = arith.constant 0 : index
      %swap3A_348 = arith.constant 0 : index
      %swap3A_349 = vector.load %arg4[%swap3A_347, %swap3A_348] : memref<1024x128xbf16, #tpu.memory_space<vmem>>, vector<1024x128xbf16>
      tpu.vector_store %arg4[%swap3A_347, %swap3A_348], %convert_element_type3A_346 {strides = array<i32>} : memref<1024x128xbf16, #tpu.memory_space<vmem>>, vector<1024x128xbf16>,
      %broadcast_in_dim3A_350 = arith.constant 0.000000e+00 : f32
      %broadcast_in_dim3A_351 = vector.broadcast %broadcast_in_dim3A_350 : f32 to vector<1024x128xf32>
      %swap3A_352 = arith.constant 0 : index
      %swap3A_353 = arith.constant 0 : index
      %swap3A_354 = vector.load %arg5[%swap3A_352, %swap3A_353] : memref<1024x128xf32, #tpu.memory_space<vmem>>, vector<1024x128xf32>
      tpu.vector_store %arg5[%swap3A_352, %swap3A_353], %broadcast_in_dim3A_351 {strides = array<i32>} : memref<1024x128xf32, #tpu.memory_space<vmem>>, vector<1024x128xf32>,
    } else {
    }
    %get3A = arith.constant 0 : index
    %get3A_2 = arith.constant 0 : index
    %get3A_3 = vector.load %arg2[%get3A, %get3A_2] : memref<10240x128xf32, #tpu.memory_space<vmem>>, vector<10240x128xf32>
    %convert_element_type3A_4 = arith.truncf %get3A_3 : vector<10240x128xf32> to vector<10240x128xbf16>
    %get3A_5 = arith.constant 0 : index
    %get3A_6 = arith.constant 0 : index
    %get3A_7 = vector.load %arg4[%get3A_5, %get3A_6] : memref<1024x128xbf16, #tpu.memory_space<vmem>>, vector<1024x128xbf16>
    %slice3A = vector.extract_strided_slice %convert_element_type3A_4 {offsets = [0, 0], sizes = [512, 128], strides = [1, 1]} : vector<10240x128xbf16> to vector<512x128xbf16>
    %dot_general3A = arith.constant dense<0.000000e+00> : vector<1024x512xf32>
    %dot_general3A_8 = tpu.matmul %get3A_7, %slice3A, %dot_general3A {dimension_numbers = #tpu.dot_dimension_numbers<[1], [1], [0], [0], [0, 0, 1, 0], [], []>, transpose_lhs_hint = false} : vector<1024x128xbf16>, vector<512x128xbf16>, vector<1024x512xf32> -> vector<1024x512xf32>
    %convert_element_type3A_9 = arith.truncf %dot_general3A_8 : vector<1024x512xf32> to vector<1024x512xbf16>
    %exp23A = math.exp2 %convert_element_type3A_9 : vector<1024x512xbf16>
    %slice3A_10 = vector.extract_strided_slice %exp23A {offsets = [0, 0], sizes = [1024, 128], strides = [1, 1]} : vector<1024x512xbf16> to vector<1024x128xbf16>
    %slice3A_11 = vector.extract_strided_slice %exp23A {offsets = [0, 128], sizes = [1024, 128], strides = [1, 1]} : vector<1024x512xbf16> to vector<1024x128xbf16>
    %slice3A_12 = vector.extract_strided_slice %exp23A {offsets = [0, 256], sizes = [1024, 128], strides = [1, 1]} : vector<1024x512xbf16> to vector<1024x128xbf16>
    %slice3A_13 = vector.extract_strided_slice %exp23A {offsets = [0, 384], sizes = [1024, 128], strides = [1, 1]} : vector<1024x512xbf16> to vector<1024x128xbf16>
    %add3A = arith.addf %slice3A_10, %slice3A_11 : vector<1024x128xbf16>
    %add3A_14 = arith.addf %slice3A_12, %slice3A_13 : vector<1024x128xbf16>
    %add3A_15 = arith.addf %add3A, %add3A_14 : vector<1024x128xbf16>
    %slice3A_16 = vector.extract_strided_slice %convert_element_type3A_4 {offsets = [512, 0], sizes = [512, 128], strides = [1, 1]} : vector<10240x128xbf16> to vector<512x128xbf16>
    %dot_general3A_17 = arith.constant dense<0.000000e+00> : vector<1024x512xf32>
    %dot_general3A_18 = tpu.matmul %get3A_7, %slice3A_16, %dot_general3A_17 {dimension_numbers = #tpu.dot_dimension_numbers<[1], [1], [0], [0], [0, 0, 1, 0], [], []>, transpose_lhs_hint = false} : vector<1024x128xbf16>, vector<512x128xbf16>, vector<1024x512xf32> -> vector<1024x512xf32>
    %convert_element_type3A_19 = arith.truncf %dot_general3A_18 : vector<1024x512xf32> to vector<1024x512xbf16>
    %exp23A_20 = math.exp2 %convert_element_type3A_19 : vector<1024x512xbf16>
    %slice3A_21 = vector.extract_strided_slice %exp23A_20 {offsets = [0, 0], sizes = [1024, 128], strides = [1, 1]} : vector<1024x512xbf16> to vector<1024x128xbf16>
    %slice3A_22 = vector.extract_strided_slice %exp23A_20 {offsets = [0, 128], sizes = [1024, 128], strides = [1, 1]} : vector<1024x512xbf16> to vector<1024x128xbf16>
    %slice3A_23 = vector.extract_strided_slice %exp23A_20 {offsets = [0, 256], sizes = [1024, 128], strides = [1, 1]} : vector<1024x512xbf16> to vector<1024x128xbf16>
    %slice3A_24 = vector.extract_strided_slice %exp23A_20 {offsets = [0, 384], sizes = [1024, 128], strides = [1, 1]} : vector<1024x512xbf16> to vector<1024x128xbf16>
    %add3A_25 = arith.addf %slice3A_21, %slice3A_22 : vector<1024x128xbf16>
    %add3A_26 = arith.addf %slice3A_23, %slice3A_24 : vector<1024x128xbf16>
    %add3A_27 = arith.addf %add3A_25, %add3A_26 : vector<1024x128xbf16>
    %add3A_28 = arith.addf %add3A_15, %add3A_27 : vector<1024x128xbf16>
    %slice3A_29 = vector.extract_strided_slice %convert_element_type3A_4 {offsets = [1024, 0], sizes = [512, 128], strides = [1, 1]} : vector<10240x128xbf16> to vector<512x128xbf16>
    %dot_general3A_30 = arith.constant dense<0.000000e+00> : vector<1024x512xf32>
    %dot_general3A_31 = tpu.matmul %get3A_7, %slice3A_29, %dot_general3A_30 {dimension_numbers = #tpu.dot_dimension_numbers<[1], [1], [0], [0], [0, 0, 1, 0], [], []>, transpose_lhs_hint = false} : vector<1024x128xbf16>, vector<512x128xbf16>, vector<1024x512xf32> -> vector<1024x512xf32>
    %convert_element_type3A_32 = arith.truncf %dot_general3A_31 : vector<1024x512xf32> to vector<1024x512xbf16>
    %exp23A_33 = math.exp2 %convert_element_type3A_32 : vector<1024x512xbf16>
    %slice3A_34 = vector.extract_strided_slice %exp23A_33 {offsets = [0, 0], sizes = [1024, 128], strides = [1, 1]} : vector<1024x512xbf16> to vector<1024x128xbf16>
    %slice3A_35 = vector.extract_strided_slice %exp23A_33 {offsets = [0, 128], sizes = [1024, 128], strides = [1, 1]} : vector<1024x512xbf16> to vector<1024x128xbf16>
    %slice3A_36 = vector.extract_strided_slice %exp23A_33 {offsets = [0, 256], sizes = [1024, 128], strides = [1, 1]} : vector<1024x512xbf16> to vector<1024x128xbf16>
    %slice3A_37 = vector.extract_strided_slice %exp23A_33 {offsets = [0, 384], sizes = [1024, 128], strides = [1, 1]} : vector<1024x512xbf16> to vector<1024x128xbf16>
    %add3A_38 = arith.addf %slice3A_34, %slice3A_35 : vector<1024x128xbf16>
    %add3A_39 = arith.addf %slice3A_36, %slice3A_37 : vector<1024x128xbf16>
    %add3A_40 = arith.addf %add3A_38, %add3A_39 : vector<1024x128xbf16>
    %add3A_41 = arith.addf %add3A_28, %add3A_40 : vector<1024x128xbf16>
    %slice3A_42 = vector.extract_strided_slice %convert_element_type3A_4 {offsets = [1536, 0], sizes = [512, 128], strides = [1, 1]} : vector<10240x128xbf16> to vector<512x128xbf16>
    %dot_general3A_43 = arith.constant dense<0.000000e+00> : vector<1024x512xf32>
    %dot_general3A_44 = tpu.matmul %get3A_7, %slice3A_42, %dot_general3A_43 {dimension_numbers = #tpu.dot_dimension_numbers<[1], [1], [0], [0], [0, 0, 1, 0], [], []>, transpose_lhs_hint = false} : vector<1024x128xbf16>, vector<512x128xbf16>, vector<1024x512xf32> -> vector<1024x512xf32>
    %convert_element_type3A_45 = arith.truncf %dot_general3A_44 : vector<1024x512xf32> to vector<1024x512xbf16>
    %exp23A_46 = math.exp2 %convert_element_type3A_45 : vector<1024x512xbf16>
    %slice3A_47 = vector.extract_strided_slice %exp23A_46 {offsets = [0, 0], sizes = [1024, 128], strides = [1, 1]} : vector<1024x512xbf16> to vector<1024x128xbf16>
    %slice3A_48 = vector.extract_strided_slice %exp23A_46 {offsets = [0, 128], sizes = [1024, 128], strides = [1, 1]} : vector<1024x512xbf16> to vector<1024x128xbf16>
    %slice3A_49 = vector.extract_strided_slice %exp23A_46 {offsets = [0, 256], sizes = [1024, 128], strides = [1, 1]} : vector<1024x512xbf16> to vector<1024x128xbf16>
    %slice3A_50 = vector.extract_strided_slice %exp23A_46 {offsets = [0, 384], sizes = [1024, 128], strides = [1, 1]} : vector<1024x512xbf16> to vector<1024x128xbf16>
    %add3A_51 = arith.addf %slice3A_47, %slice3A_48 : vector<1024x128xbf16>
    %add3A_52 = arith.addf %slice3A_49, %slice3A_50 : vector<1024x128xbf16>
    %add3A_53 = arith.addf %add3A_51, %add3A_52 : vector<1024x128xbf16>
    %add3A_54 = arith.addf %add3A_41, %add3A_53 : vector<1024x128xbf16>
    %slice3A_55 = vector.extract_strided_slice %convert_element_type3A_4 {offsets = [2048, 0], sizes = [512, 128], strides = [1, 1]} : vector<10240x128xbf16> to vector<512x128xbf16>
    %dot_general3A_56 = arith.constant dense<0.000000e+00> : vector<1024x512xf32>
    %dot_general3A_57 = tpu.matmul %get3A_7, %slice3A_55, %dot_general3A_56 {dimension_numbers = #tpu.dot_dimension_numbers<[1], [1], [0], [0], [0, 0, 1, 0], [], []>, transpose_lhs_hint = false} : vector<1024x128xbf16>, vector<512x128xbf16>, vector<1024x512xf32> -> vector<1024x512xf32>
    %convert_element_type3A_58 = arith.truncf %dot_general3A_57 : vector<1024x512xf32> to vector<1024x512xbf16>
    %exp23A_59 = math.exp2 %convert_element_type3A_58 : vector<1024x512xbf16>
    %slice3A_60 = vector.extract_strided_slice %exp23A_59 {offsets = [0, 0], sizes = [1024, 128], strides = [1, 1]} : vector<1024x512xbf16> to vector<1024x128xbf16>
    %slice3A_61 = vector.extract_strided_slice %exp23A_59 {offsets = [0, 128], sizes = [1024, 128], strides = [1, 1]} : vector<1024x512xbf16> to vector<1024x128xbf16>
    %slice3A_62 = vector.extract_strided_slice %exp23A_59 {offsets = [0, 256], sizes = [1024, 128], strides = [1, 1]} : vector<1024x512xbf16> to vector<1024x128xbf16>
    %slice3A_63 = vector.extract_strided_slice %exp23A_59 {offsets = [0, 384], sizes = [1024, 128], strides = [1, 1]} : vector<1024x512xbf16> to vector<1024x128xbf16>
    %add3A_64 = arith.addf %slice3A_60, %slice3A_61 : vector<1024x128xbf16>
    %add3A_65 = arith.addf %slice3A_62, %slice3A_63 : vector<1024x128xbf16>
    %add3A_66 = arith.addf %add3A_64, %add3A_65 : vector<1024x128xbf16>
    %add3A_67 = arith.addf %add3A_54, %add3A_66 : vector<1024x128xbf16>
    %slice3A_68 = vector.extract_strided_slice %convert_element_type3A_4 {offsets = [2560, 0], sizes = [512, 128], strides = [1, 1]} : vector<10240x128xbf16> to vector<512x128xbf16>
    %dot_general3A_69 = arith.constant dense<0.000000e+00> : vector<1024x512xf32>
    %dot_general3A_70 = tpu.matmul %get3A_7, %slice3A_68, %dot_general3A_69 {dimension_numbers = #tpu.dot_dimension_numbers<[1], [1], [0], [0], [0, 0, 1, 0], [], []>, transpose_lhs_hint = false} : vector<1024x128xbf16>, vector<512x128xbf16>, vector<1024x512xf32> -> vector<1024x512xf32>
    %convert_element_type3A_71 = arith.truncf %dot_general3A_70 : vector<1024x512xf32> to vector<1024x512xbf16>
    %exp23A_72 = math.exp2 %convert_element_type3A_71 : vector<1024x512xbf16>
    %slice3A_73 = vector.extract_strided_slice %exp23A_72 {offsets = [0, 0], sizes = [1024, 128], strides = [1, 1]} : vector<1024x512xbf16> to vector<1024x128xbf16>
    %slice3A_74 = vector.extract_strided_slice %exp23A_72 {offsets = [0, 128], sizes = [1024, 128], strides = [1, 1]} : vector<1024x512xbf16> to vector<1024x128xbf16>
    %slice3A_75 = vector.extract_strided_slice %exp23A_72 {offsets = [0, 256], sizes = [1024, 128], strides = [1, 1]} : vector<1024x512xbf16> to vector<1024x128xbf16>
    %slice3A_76 = vector.extract_strided_slice %exp23A_72 {offsets = [0, 384], sizes = [1024, 128], strides = [1, 1]} : vector<1024x512xbf16> to vector<1024x128xbf16>
    %add3A_77 = arith.addf %slice3A_73, %slice3A_74 : vector<1024x128xbf16>
    %add3A_78 = arith.addf %slice3A_75, %slice3A_76 : vector<1024x128xbf16>
    %add3A_79 = arith.addf %add3A_77, %add3A_78 : vector<1024x128xbf16>
    %add3A_80 = arith.addf %add3A_67, %add3A_79 : vector<1024x128xbf16>
    %slice3A_81 = vector.extract_strided_slice %convert_element_type3A_4 {offsets = [3072, 0], sizes = [512, 128], strides = [1, 1]} : vector<10240x128xbf16> to vector<512x128xbf16>
    %dot_general3A_82 = arith.constant dense<0.000000e+00> : vector<1024x512xf32>
    %dot_general3A_83 = tpu.matmul %get3A_7, %slice3A_81, %dot_general3A_82 {dimension_numbers = #tpu.dot_dimension_numbers<[1], [1], [0], [0], [0, 0, 1, 0], [], []>, transpose_lhs_hint = false} : vector<1024x128xbf16>, vector<512x128xbf16>, vector<1024x512xf32> -> vector<1024x512xf32>
    %convert_element_type3A_84 = arith.truncf %dot_general3A_83 : vector<1024x512xf32> to vector<1024x512xbf16>
    %exp23A_85 = math.exp2 %convert_element_type3A_84 : vector<1024x512xbf16>
    %slice3A_86 = vector.extract_strided_slice %exp23A_85 {offsets = [0, 0], sizes = [1024, 128], strides = [1, 1]} : vector<1024x512xbf16> to vector<1024x128xbf16>
    %slice3A_87 = vector.extract_strided_slice %exp23A_85 {offsets = [0, 128], sizes = [1024, 128], strides = [1, 1]} : vector<1024x512xbf16> to vector<1024x128xbf16>
    %slice3A_88 = vector.extract_strided_slice %exp23A_85 {offsets = [0, 256], sizes = [1024, 128], strides = [1, 1]} : vector<1024x512xbf16> to vector<1024x128xbf16>
    %slice3A_89 = vector.extract_strided_slice %exp23A_85 {offsets = [0, 384], sizes = [1024, 128], strides = [1, 1]} : vector<1024x512xbf16> to vector<1024x128xbf16>
    %add3A_90 = arith.addf %slice3A_86, %slice3A_87 : vector<1024x128xbf16>
    %add3A_91 = arith.addf %slice3A_88, %slice3A_89 : vector<1024x128xbf16>
    %add3A_92 = arith.addf %add3A_90, %add3A_91 : vector<1024x128xbf16>
    %add3A_93 = arith.addf %add3A_80, %add3A_92 : vector<1024x128xbf16>
    %slice3A_94 = vector.extract_strided_slice %convert_element_type3A_4 {offsets = [3584, 0], sizes = [512, 128], strides = [1, 1]} : vector<10240x128xbf16> to vector<512x128xbf16>
    %dot_general3A_95 = arith.constant dense<0.000000e+00> : vector<1024x512xf32>
    %dot_general3A_96 = tpu.matmul %get3A_7, %slice3A_94, %dot_general3A_95 {dimension_numbers = #tpu.dot_dimension_numbers<[1], [1], [0], [0], [0, 0, 1, 0], [], []>, transpose_lhs_hint = false} : vector<1024x128xbf16>, vector<512x128xbf16>, vector<1024x512xf32> -> vector<1024x512xf32>
    %convert_element_type3A_97 = arith.truncf %dot_general3A_96 : vector<1024x512xf32> to vector<1024x512xbf16>
    %exp23A_98 = math.exp2 %convert_element_type3A_97 : vector<1024x512xbf16>
    %slice3A_99 = vector.extract_strided_slice %exp23A_98 {offsets = [0, 0], sizes = [1024, 128], strides = [1, 1]} : vector<1024x512xbf16> to vector<1024x128xbf16>
    %slice3A_100 = vector.extract_strided_slice %exp23A_98 {offsets = [0, 128], sizes = [1024, 128], strides = [1, 1]} : vector<1024x512xbf16> to vector<1024x128xbf16>
    %slice3A_101 = vector.extract_strided_slice %exp23A_98 {offsets = [0, 256], sizes = [1024, 128], strides = [1, 1]} : vector<1024x512xbf16> to vector<1024x128xbf16>
    %slice3A_102 = vector.extract_strided_slice %exp23A_98 {offsets = [0, 384], sizes = [1024, 128], strides = [1, 1]} : vector<1024x512xbf16> to vector<1024x128xbf16>
    %add3A_103 = arith.addf %slice3A_99, %slice3A_100 : vector<1024x128xbf16>
    %add3A_104 = arith.addf %slice3A_101, %slice3A_102 : vector<1024x128xbf16>
    %add3A_105 = arith.addf %add3A_103, %add3A_104 : vector<1024x128xbf16>
    %add3A_106 = arith.addf %add3A_93, %add3A_105 : vector<1024x128xbf16>
    %slice3A_107 = vector.extract_strided_slice %convert_element_type3A_4 {offsets = [4096, 0], sizes = [512, 128], strides = [1, 1]} : vector<10240x128xbf16> to vector<512x128xbf16>
    %dot_general3A_108 = arith.constant dense<0.000000e+00> : vector<1024x512xf32>
    %dot_general3A_109 = tpu.matmul %get3A_7, %slice3A_107, %dot_general3A_108 {dimension_numbers = #tpu.dot_dimension_numbers<[1], [1], [0], [0], [0, 0, 1, 0], [], []>, transpose_lhs_hint = false} : vector<1024x128xbf16>, vector<512x128xbf16>, vector<1024x512xf32> -> vector<1024x512xf32>
    %convert_element_type3A_110 = arith.truncf %dot_general3A_109 : vector<1024x512xf32> to vector<1024x512xbf16>
    %exp23A_111 = math.exp2 %convert_element_type3A_110 : vector<1024x512xbf16>
    %slice3A_112 = vector.extract_strided_slice %exp23A_111 {offsets = [0, 0], sizes = [1024, 128], strides = [1, 1]} : vector<1024x512xbf16> to vector<1024x128xbf16>
    %slice3A_113 = vector.extract_strided_slice %exp23A_111 {offsets = [0, 128], sizes = [1024, 128], strides = [1, 1]} : vector<1024x512xbf16> to vector<1024x128xbf16>
    %slice3A_114 = vector.extract_strided_slice %exp23A_111 {offsets = [0, 256], sizes = [1024, 128], strides = [1, 1]} : vector<1024x512xbf16> to vector<1024x128xbf16>
    %slice3A_115 = vector.extract_strided_slice %exp23A_111 {offsets = [0, 384], sizes = [1024, 128], strides = [1, 1]} : vector<1024x512xbf16> to vector<1024x128xbf16>
    %add3A_116 = arith.addf %slice3A_112, %slice3A_113 : vector<1024x128xbf16>
    %add3A_117 = arith.addf %slice3A_114, %slice3A_115 : vector<1024x128xbf16>
    %add3A_118 = arith.addf %add3A_116, %add3A_117 : vector<1024x128xbf16>
    %add3A_119 = arith.addf %add3A_106, %add3A_118 : vector<1024x128xbf16>
    %slice3A_120 = vector.extract_strided_slice %convert_element_type3A_4 {offsets = [4608, 0], sizes = [512, 128], strides = [1, 1]} : vector<10240x128xbf16> to vector<512x128xbf16>
    %dot_general3A_121 = arith.constant dense<0.000000e+00> : vector<1024x512xf32>
    %dot_general3A_122 = tpu.matmul %get3A_7, %slice3A_120, %dot_general3A_121 {dimension_numbers = #tpu.dot_dimension_numbers<[1], [1], [0], [0], [0, 0, 1, 0], [], []>, transpose_lhs_hint = false} : vector<1024x128xbf16>, vector<512x128xbf16>, vector<1024x512xf32> -> vector<1024x512xf32>
    %convert_element_type3A_123 = arith.truncf %dot_general3A_122 : vector<1024x512xf32> to vector<1024x512xbf16>
    %exp23A_124 = math.exp2 %convert_element_type3A_123 : vector<1024x512xbf16>
    %slice3A_125 = vector.extract_strided_slice %exp23A_124 {offsets = [0, 0], sizes = [1024, 128], strides = [1, 1]} : vector<1024x512xbf16> to vector<1024x128xbf16>
    %slice3A_126 = vector.extract_strided_slice %exp23A_124 {offsets = [0, 128], sizes = [1024, 128], strides = [1, 1]} : vector<1024x512xbf16> to vector<1024x128xbf16>
    %slice3A_127 = vector.extract_strided_slice %exp23A_124 {offsets = [0, 256], sizes = [1024, 128], strides = [1, 1]} : vector<1024x512xbf16> to vector<1024x128xbf16>
    %slice3A_128 = vector.extract_strided_slice %exp23A_124 {offsets = [0, 384], sizes = [1024, 128], strides = [1, 1]} : vector<1024x512xbf16> to vector<1024x128xbf16>
    %add3A_129 = arith.addf %slice3A_125, %slice3A_126 : vector<1024x128xbf16>
    %add3A_130 = arith.addf %slice3A_127, %slice3A_128 : vector<1024x128xbf16>
    %add3A_131 = arith.addf %add3A_129, %add3A_130 : vector<1024x128xbf16>
    %add3A_132 = arith.addf %add3A_119, %add3A_131 : vector<1024x128xbf16>
    %slice3A_133 = vector.extract_strided_slice %convert_element_type3A_4 {offsets = [5120, 0], sizes = [512, 128], strides = [1, 1]} : vector<10240x128xbf16> to vector<512x128xbf16>
    %dot_general3A_134 = arith.constant dense<0.000000e+00> : vector<1024x512xf32>
    %dot_general3A_135 = tpu.matmul %get3A_7, %slice3A_133, %dot_general3A_134 {dimension_numbers = #tpu.dot_dimension_numbers<[1], [1], [0], [0], [0, 0, 1, 0], [], []>, transpose_lhs_hint = false} : vector<1024x128xbf16>, vector<512x128xbf16>, vector<1024x512xf32> -> vector<1024x512xf32>
    %convert_element_type3A_136 = arith.truncf %dot_general3A_135 : vector<1024x512xf32> to vector<1024x512xbf16>
    %exp23A_137 = math.exp2 %convert_element_type3A_136 : vector<1024x512xbf16>
    %slice3A_138 = vector.extract_strided_slice %exp23A_137 {offsets = [0, 0], sizes = [1024, 128], strides = [1, 1]} : vector<1024x512xbf16> to vector<1024x128xbf16>
    %slice3A_139 = vector.extract_strided_slice %exp23A_137 {offsets = [0, 128], sizes = [1024, 128], strides = [1, 1]} : vector<1024x512xbf16> to vector<1024x128xbf16>
    %slice3A_140 = vector.extract_strided_slice %exp23A_137 {offsets = [0, 256], sizes = [1024, 128], strides = [1, 1]} : vector<1024x512xbf16> to vector<1024x128xbf16>
    %slice3A_141 = vector.extract_strided_slice %exp23A_137 {offsets = [0, 384], sizes = [1024, 128], strides = [1, 1]} : vector<1024x512xbf16> to vector<1024x128xbf16>
    %add3A_142 = arith.addf %slice3A_138, %slice3A_139 : vector<1024x128xbf16>
    %add3A_143 = arith.addf %slice3A_140, %slice3A_141 : vector<1024x128xbf16>
    %add3A_144 = arith.addf %add3A_142, %add3A_143 : vector<1024x128xbf16>
    %add3A_145 = arith.addf %add3A_132, %add3A_144 : vector<1024x128xbf16>
    %slice3A_146 = vector.extract_strided_slice %convert_element_type3A_4 {offsets = [5632, 0], sizes = [512, 128], strides = [1, 1]} : vector<10240x128xbf16> to vector<512x128xbf16>
    %dot_general3A_147 = arith.constant dense<0.000000e+00> : vector<1024x512xf32>
    %dot_general3A_148 = tpu.matmul %get3A_7, %slice3A_146, %dot_general3A_147 {dimension_numbers = #tpu.dot_dimension_numbers<[1], [1], [0], [0], [0, 0, 1, 0], [], []>, transpose_lhs_hint = false} : vector<1024x128xbf16>, vector<512x128xbf16>, vector<1024x512xf32> -> vector<1024x512xf32>
    %convert_element_type3A_149 = arith.truncf %dot_general3A_148 : vector<1024x512xf32> to vector<1024x512xbf16>
    %exp23A_150 = math.exp2 %convert_element_type3A_149 : vector<1024x512xbf16>
    %slice3A_151 = vector.extract_strided_slice %exp23A_150 {offsets = [0, 0], sizes = [1024, 128], strides = [1, 1]} : vector<1024x512xbf16> to vector<1024x128xbf16>
    %slice3A_152 = vector.extract_strided_slice %exp23A_150 {offsets = [0, 128], sizes = [1024, 128], strides = [1, 1]} : vector<1024x512xbf16> to vector<1024x128xbf16>
    %slice3A_153 = vector.extract_strided_slice %exp23A_150 {offsets = [0, 256], sizes = [1024, 128], strides = [1, 1]} : vector<1024x512xbf16> to vector<1024x128xbf16>
    %slice3A_154 = vector.extract_strided_slice %exp23A_150 {offsets = [0, 384], sizes = [1024, 128], strides = [1, 1]} : vector<1024x512xbf16> to vector<1024x128xbf16>
    %add3A_155 = arith.addf %slice3A_151, %slice3A_152 : vector<1024x128xbf16>
    %add3A_156 = arith.addf %slice3A_153, %slice3A_154 : vector<1024x128xbf16>
    %add3A_157 = arith.addf %add3A_155, %add3A_156 : vector<1024x128xbf16>
    %add3A_158 = arith.addf %add3A_145, %add3A_157 : vector<1024x128xbf16>
    %slice3A_159 = vector.extract_strided_slice %convert_element_type3A_4 {offsets = [6144, 0], sizes = [512, 128], strides = [1, 1]} : vector<10240x128xbf16> to vector<512x128xbf16>
    %dot_general3A_160 = arith.constant dense<0.000000e+00> : vector<1024x512xf32>
    %dot_general3A_161 = tpu.matmul %get3A_7, %slice3A_159, %dot_general3A_160 {dimension_numbers = #tpu.dot_dimension_numbers<[1], [1], [0], [0], [0, 0, 1, 0], [], []>, transpose_lhs_hint = false} : vector<1024x128xbf16>, vector<512x128xbf16>, vector<1024x512xf32> -> vector<1024x512xf32>
    %convert_element_type3A_162 = arith.truncf %dot_general3A_161 : vector<1024x512xf32> to vector<1024x512xbf16>
    %exp23A_163 = math.exp2 %convert_element_type3A_162 : vector<1024x512xbf16>
    %slice3A_164 = vector.extract_strided_slice %exp23A_163 {offsets = [0, 0], sizes = [1024, 128], strides = [1, 1]} : vector<1024x512xbf16> to vector<1024x128xbf16>
    %slice3A_165 = vector.extract_strided_slice %exp23A_163 {offsets = [0, 128], sizes = [1024, 128], strides = [1, 1]} : vector<1024x512xbf16> to vector<1024x128xbf16>
    %slice3A_166 = vector.extract_strided_slice %exp23A_163 {offsets = [0, 256], sizes = [1024, 128], strides = [1, 1]} : vector<1024x512xbf16> to vector<1024x128xbf16>
    %slice3A_167 = vector.extract_strided_slice %exp23A_163 {offsets = [0, 384], sizes = [1024, 128], strides = [1, 1]} : vector<1024x512xbf16> to vector<1024x128xbf16>
    %add3A_168 = arith.addf %slice3A_164, %slice3A_165 : vector<1024x128xbf16>
    %add3A_169 = arith.addf %slice3A_166, %slice3A_167 : vector<1024x128xbf16>
    %add3A_170 = arith.addf %add3A_168, %add3A_169 : vector<1024x128xbf16>
    %add3A_171 = arith.addf %add3A_158, %add3A_170 : vector<1024x128xbf16>
    %slice3A_172 = vector.extract_strided_slice %convert_element_type3A_4 {offsets = [6656, 0], sizes = [512, 128], strides = [1, 1]} : vector<10240x128xbf16> to vector<512x128xbf16>
    %dot_general3A_173 = arith.constant dense<0.000000e+00> : vector<1024x512xf32>
    %dot_general3A_174 = tpu.matmul %get3A_7, %slice3A_172, %dot_general3A_173 {dimension_numbers = #tpu.dot_dimension_numbers<[1], [1], [0], [0], [0, 0, 1, 0], [], []>, transpose_lhs_hint = false} : vector<1024x128xbf16>, vector<512x128xbf16>, vector<1024x512xf32> -> vector<1024x512xf32>
    %convert_element_type3A_175 = arith.truncf %dot_general3A_174 : vector<1024x512xf32> to vector<1024x512xbf16>
    %exp23A_176 = math.exp2 %convert_element_type3A_175 : vector<1024x512xbf16>
    %slice3A_177 = vector.extract_strided_slice %exp23A_176 {offsets = [0, 0], sizes = [1024, 128], strides = [1, 1]} : vector<1024x512xbf16> to vector<1024x128xbf16>
    %slice3A_178 = vector.extract_strided_slice %exp23A_176 {offsets = [0, 128], sizes = [1024, 128], strides = [1, 1]} : vector<1024x512xbf16> to vector<1024x128xbf16>
    %slice3A_179 = vector.extract_strided_slice %exp23A_176 {offsets = [0, 256], sizes = [1024, 128], strides = [1, 1]} : vector<1024x512xbf16> to vector<1024x128xbf16>
    %slice3A_180 = vector.extract_strided_slice %exp23A_176 {offsets = [0, 384], sizes = [1024, 128], strides = [1, 1]} : vector<1024x512xbf16> to vector<1024x128xbf16>
    %add3A_181 = arith.addf %slice3A_177, %slice3A_178 : vector<1024x128xbf16>
    %add3A_182 = arith.addf %slice3A_179, %slice3A_180 : vector<1024x128xbf16>
    %add3A_183 = arith.addf %add3A_181, %add3A_182 : vector<1024x128xbf16>
    %add3A_184 = arith.addf %add3A_171, %add3A_183 : vector<1024x128xbf16>
    %slice3A_185 = vector.extract_strided_slice %convert_element_type3A_4 {offsets = [7168, 0], sizes = [512, 128], strides = [1, 1]} : vector<10240x128xbf16> to vector<512x128xbf16>
    %dot_general3A_186 = arith.constant dense<0.000000e+00> : vector<1024x512xf32>
    %dot_general3A_187 = tpu.matmul %get3A_7, %slice3A_185, %dot_general3A_186 {dimension_numbers = #tpu.dot_dimension_numbers<[1], [1], [0], [0], [0, 0, 1, 0], [], []>, transpose_lhs_hint = false} : vector<1024x128xbf16>, vector<512x128xbf16>, vector<1024x512xf32> -> vector<1024x512xf32>
    %convert_element_type3A_188 = arith.truncf %dot_general3A_187 : vector<1024x512xf32> to vector<1024x512xbf16>
    %exp23A_189 = math.exp2 %convert_element_type3A_188 : vector<1024x512xbf16>
    %slice3A_190 = vector.extract_strided_slice %exp23A_189 {offsets = [0, 0], sizes = [1024, 128], strides = [1, 1]} : vector<1024x512xbf16> to vector<1024x128xbf16>
    %slice3A_191 = vector.extract_strided_slice %exp23A_189 {offsets = [0, 128], sizes = [1024, 128], strides = [1, 1]} : vector<1024x512xbf16> to vector<1024x128xbf16>
    %slice3A_192 = vector.extract_strided_slice %exp23A_189 {offsets = [0, 256], sizes = [1024, 128], strides = [1, 1]} : vector<1024x512xbf16> to vector<1024x128xbf16>
    %slice3A_193 = vector.extract_strided_slice %exp23A_189 {offsets = [0, 384], sizes = [1024, 128], strides = [1, 1]} : vector<1024x512xbf16> to vector<1024x128xbf16>
    %add3A_194 = arith.addf %slice3A_190, %slice3A_191 : vector<1024x128xbf16>
    %add3A_195 = arith.addf %slice3A_192, %slice3A_193 : vector<1024x128xbf16>
    %add3A_196 = arith.addf %add3A_194, %add3A_195 : vector<1024x128xbf16>
    %add3A_197 = arith.addf %add3A_184, %add3A_196 : vector<1024x128xbf16>
    %slice3A_198 = vector.extract_strided_slice %convert_element_type3A_4 {offsets = [7680, 0], sizes = [512, 128], strides = [1, 1]} : vector<10240x128xbf16> to vector<512x128xbf16>
    %dot_general3A_199 = arith.constant dense<0.000000e+00> : vector<1024x512xf32>
    %dot_general3A_200 = tpu.matmul %get3A_7, %slice3A_198, %dot_general3A_199 {dimension_numbers = #tpu.dot_dimension_numbers<[1], [1], [0], [0], [0, 0, 1, 0], [], []>, transpose_lhs_hint = false} : vector<1024x128xbf16>, vector<512x128xbf16>, vector<1024x512xf32> -> vector<1024x512xf32>
    %convert_element_type3A_201 = arith.truncf %dot_general3A_200 : vector<1024x512xf32> to vector<1024x512xbf16>
    %exp23A_202 = math.exp2 %convert_element_type3A_201 : vector<1024x512xbf16>
    %mul3A = arith.constant 10240 : i32
    %mul3A_203 = arith.muli %arg0, %mul3A : i32
    %add3A_204 = arith.constant 7680 : i32
    %add3A_205 = arith.addi %mul3A_203, %add3A_204 : i32
    %iota3A = tpu.iota {dimensions = array<i32: 1>} : vector<1024x512xi32>
    %add3A_206 = vector.broadcast %add3A_205 : i32 to vector<1024x512xi32>
    %add3A_207 = arith.addi %add3A_206, %iota3A : vector<1024x512xi32>
    %lt3A = arith.constant 100000 : i32
    %lt3A_208 = vector.broadcast %lt3A : i32 to vector<1024x512xi32>
    %lt3A_209 = arith.cmpi slt, %add3A_207, %lt3A_208 : vector<1024x512xi32>
    %jit3A = arith.constant 0.000000e+00 : bf16
    %broadcast_in_dim3A = vector.broadcast %jit3A : bf16 to vector<1024x512xbf16>
    %select_n3A = arith.select %lt3A_209, %exp23A_202, %broadcast_in_dim3A : vector<1024x512xi1>, vector<1024x512xbf16>
    %slice3A_210 = vector.extract_strided_slice %select_n3A {offsets = [0, 0], sizes = [1024, 128], strides = [1, 1]} : vector<1024x512xbf16> to vector<1024x128xbf16>
    %slice3A_211 = vector.extract_strided_slice %select_n3A {offsets = [0, 128], sizes = [1024, 128], strides = [1, 1]} : vector<1024x512xbf16> to vector<1024x128xbf16>
    %slice3A_212 = vector.extract_strided_slice %select_n3A {offsets = [0, 256], sizes = [1024, 128], strides = [1, 1]} : vector<1024x512xbf16> to vector<1024x128xbf16>
    %slice3A_213 = vector.extract_strided_slice %select_n3A {offsets = [0, 384], sizes = [1024, 128], strides = [1, 1]} : vector<1024x512xbf16> to vector<1024x128xbf16>
    %add3A_214 = arith.addf %slice3A_210, %slice3A_211 : vector<1024x128xbf16>
    %add3A_215 = arith.addf %slice3A_212, %slice3A_213 : vector<1024x128xbf16>
    %add3A_216 = arith.addf %add3A_214, %add3A_215 : vector<1024x128xbf16>
    %add3A_217 = arith.addf %add3A_197, %add3A_216 : vector<1024x128xbf16>
    %slice3A_218 = vector.extract_strided_slice %convert_element_type3A_4 {offsets = [8192, 0], sizes = [512, 128], strides = [1, 1]} : vector<10240x128xbf16> to vector<512x128xbf16>
    %dot_general3A_219 = arith.constant dense<0.000000e+00> : vector<1024x512xf32>
    %dot_general3A_220 = tpu.matmul %get3A_7, %slice3A_218, %dot_general3A_219 {dimension_numbers = #tpu.dot_dimension_numbers<[1], [1], [0], [0], [0, 0, 1, 0], [], []>, transpose_lhs_hint = false} : vector<1024x128xbf16>, vector<512x128xbf16>, vector<1024x512xf32> -> vector<1024x512xf32>
    %convert_element_type3A_221 = arith.truncf %dot_general3A_220 : vector<1024x512xf32> to vector<1024x512xbf16>
    %exp23A_222 = math.exp2 %convert_element_type3A_221 : vector<1024x512xbf16>
    %mul3A_223 = arith.constant 10240 : i32
    %mul3A_224 = arith.muli %arg0, %mul3A_223 : i32
    %add3A_225 = arith.constant 8192 : i32
    %add3A_226 = arith.addi %mul3A_224, %add3A_225 : i32
    %iota3A_227 = tpu.iota {dimensions = array<i32: 1>} : vector<1024x512xi32>
    %add3A_228 = vector.broadcast %add3A_226 : i32 to vector<1024x512xi32>
    %add3A_229 = arith.addi %add3A_228, %iota3A_227 : vector<1024x512xi32>
    %lt3A_230 = arith.constant 100000 : i32
    %lt3A_231 = vector.broadcast %lt3A_230 : i32 to vector<1024x512xi32>
    %lt3A_232 = arith.cmpi slt, %add3A_229, %lt3A_231 : vector<1024x512xi32>
    %jit3A_233 = arith.constant 0.000000e+00 : bf16
    %broadcast_in_dim3A_234 = vector.broadcast %jit3A_233 : bf16 to vector<1024x512xbf16>
    %select_n3A_235 = arith.select %lt3A_232, %exp23A_222, %broadcast_in_dim3A_234 : vector<1024x512xi1>, vector<1024x512xbf16>
    %slice3A_236 = vector.extract_strided_slice %select_n3A_235 {offsets = [0, 0], sizes = [1024, 128], strides = [1, 1]} : vector<1024x512xbf16> to vector<1024x128xbf16>
    %slice3A_237 = vector.extract_strided_slice %select_n3A_235 {offsets = [0, 128], sizes = [1024, 128], strides = [1, 1]} : vector<1024x512xbf16> to vector<1024x128xbf16>
    %slice3A_238 = vector.extract_strided_slice %select_n3A_235 {offsets = [0, 256], sizes = [1024, 128], strides = [1, 1]} : vector<1024x512xbf16> to vector<1024x128xbf16>
    %slice3A_239 = vector.extract_strided_slice %select_n3A_235 {offsets = [0, 384], sizes = [1024, 128], strides = [1, 1]} : vector<1024x512xbf16> to vector<1024x128xbf16>
    %add3A_240 = arith.addf %slice3A_236, %slice3A_237 : vector<1024x128xbf16>
    %add3A_241 = arith.addf %slice3A_238, %slice3A_239 : vector<1024x128xbf16>
    %add3A_242 = arith.addf %add3A_240, %add3A_241 : vector<1024x128xbf16>
    %add3A_243 = arith.addf %add3A_217, %add3A_242 : vector<1024x128xbf16>
    %slice3A_244 = vector.extract_strided_slice %convert_element_type3A_4 {offsets = [8704, 0], sizes = [512, 128], strides = [1, 1]} : vector<10240x128xbf16> to vector<512x128xbf16>
    %dot_general3A_245 = arith.constant dense<0.000000e+00> : vector<1024x512xf32>
    %dot_general3A_246 = tpu.matmul %get3A_7, %slice3A_244, %dot_general3A_245 {dimension_numbers = #tpu.dot_dimension_numbers<[1], [1], [0], [0], [0, 0, 1, 0], [], []>, transpose_lhs_hint = false} : vector<1024x128xbf16>, vector<512x128xbf16>, vector<1024x512xf32> -> vector<1024x512xf32>
    %convert_element_type3A_247 = arith.truncf %dot_general3A_246 : vector<1024x512xf32> to vector<1024x512xbf16>
    %exp23A_248 = math.exp2 %convert_element_type3A_247 : vector<1024x512xbf16>
    %mul3A_249 = arith.constant 10240 : i32
    %mul3A_250 = arith.muli %arg0, %mul3A_249 : i32
    %add3A_251 = arith.constant 8704 : i32
    %add3A_252 = arith.addi %mul3A_250, %add3A_251 : i32
    %iota3A_253 = tpu.iota {dimensions = array<i32: 1>} : vector<1024x512xi32>
    %add3A_254 = vector.broadcast %add3A_252 : i32 to vector<1024x512xi32>
    %add3A_255 = arith.addi %add3A_254, %iota3A_253 : vector<1024x512xi32>
    %lt3A_256 = arith.constant 100000 : i32
    %lt3A_257 = vector.broadcast %lt3A_256 : i32 to vector<1024x512xi32>
    %lt3A_258 = arith.cmpi slt, %add3A_255, %lt3A_257 : vector<1024x512xi32>
    %jit3A_259 = arith.constant 0.000000e+00 : bf16
    %broadcast_in_dim3A_260 = vector.broadcast %jit3A_259 : bf16 to vector<1024x512xbf16>
    %select_n3A_261 = arith.select %lt3A_258, %exp23A_248, %broadcast_in_dim3A_260 : vector<1024x512xi1>, vector<1024x512xbf16>
    %slice3A_262 = vector.extract_strided_slice %select_n3A_261 {offsets = [0, 0], sizes = [1024, 128], strides = [1, 1]} : vector<1024x512xbf16> to vector<1024x128xbf16>
    %slice3A_263 = vector.extract_strided_slice %select_n3A_261 {offsets = [0, 128], sizes = [1024, 128], strides = [1, 1]} : vector<1024x512xbf16> to vector<1024x128xbf16>
    %slice3A_264 = vector.extract_strided_slice %select_n3A_261 {offsets = [0, 256], sizes = [1024, 128], strides = [1, 1]} : vector<1024x512xbf16> to vector<1024x128xbf16>
    %slice3A_265 = vector.extract_strided_slice %select_n3A_261 {offsets = [0, 384], sizes = [1024, 128], strides = [1, 1]} : vector<1024x512xbf16> to vector<1024x128xbf16>
    %add3A_266 = arith.addf %slice3A_262, %slice3A_263 : vector<1024x128xbf16>
    %add3A_267 = arith.addf %slice3A_264, %slice3A_265 : vector<1024x128xbf16>
    %add3A_268 = arith.addf %add3A_266, %add3A_267 : vector<1024x128xbf16>
    %add3A_269 = arith.addf %add3A_243, %add3A_268 : vector<1024x128xbf16>
    %slice3A_270 = vector.extract_strided_slice %convert_element_type3A_4 {offsets = [9216, 0], sizes = [512, 128], strides = [1, 1]} : vector<10240x128xbf16> to vector<512x128xbf16>
    %dot_general3A_271 = arith.constant dense<0.000000e+00> : vector<1024x512xf32>
    %dot_general3A_272 = tpu.matmul %get3A_7, %slice3A_270, %dot_general3A_271 {dimension_numbers = #tpu.dot_dimension_numbers<[1], [1], [0], [0], [0, 0, 1, 0], [], []>, transpose_lhs_hint = false} : vector<1024x128xbf16>, vector<512x128xbf16>, vector<1024x512xf32> -> vector<1024x512xf32>
    %convert_element_type3A_273 = arith.truncf %dot_general3A_272 : vector<1024x512xf32> to vector<1024x512xbf16>
    %exp23A_274 = math.exp2 %convert_element_type3A_273 : vector<1024x512xbf16>
    %mul3A_275 = arith.constant 10240 : i32
    %mul3A_276 = arith.muli %arg0, %mul3A_275 : i32
    %add3A_277 = arith.constant 9216 : i32
    %add3A_278 = arith.addi %mul3A_276, %add3A_277 : i32
    %iota3A_279 = tpu.iota {dimensions = array<i32: 1>} : vector<1024x512xi32>
    %add3A_280 = vector.broadcast %add3A_278 : i32 to vector<1024x512xi32>
    %add3A_281 = arith.addi %add3A_280, %iota3A_279 : vector<1024x512xi32>
    %lt3A_282 = arith.constant 100000 : i32
    %lt3A_283 = vector.broadcast %lt3A_282 : i32 to vector<1024x512xi32>
    %lt3A_284 = arith.cmpi slt, %add3A_281, %lt3A_283 : vector<1024x512xi32>
    %jit3A_285 = arith.constant 0.000000e+00 : bf16
    %broadcast_in_dim3A_286 = vector.broadcast %jit3A_285 : bf16 to vector<1024x512xbf16>
    %select_n3A_287 = arith.select %lt3A_284, %exp23A_274, %broadcast_in_dim3A_286 : vector<1024x512xi1>, vector<1024x512xbf16>
    %slice3A_288 = vector.extract_strided_slice %select_n3A_287 {offsets = [0, 0], sizes = [1024, 128], strides = [1, 1]} : vector<1024x512xbf16> to vector<1024x128xbf16>
    %slice3A_289 = vector.extract_strided_slice %select_n3A_287 {offsets = [0, 128], sizes = [1024, 128], strides = [1, 1]} : vector<1024x512xbf16> to vector<1024x128xbf16>
    %slice3A_290 = vector.extract_strided_slice %select_n3A_287 {offsets = [0, 256], sizes = [1024, 128], strides = [1, 1]} : vector<1024x512xbf16> to vector<1024x128xbf16>
    %slice3A_291 = vector.extract_strided_slice %select_n3A_287 {offsets = [0, 384], sizes = [1024, 128], strides = [1, 1]} : vector<1024x512xbf16> to vector<1024x128xbf16>
    %add3A_292 = arith.addf %slice3A_288, %slice3A_289 : vector<1024x128xbf16>
    %add3A_293 = arith.addf %slice3A_290, %slice3A_291 : vector<1024x128xbf16>
    %add3A_294 = arith.addf %add3A_292, %add3A_293 : vector<1024x128xbf16>
    %add3A_295 = arith.addf %add3A_269, %add3A_294 : vector<1024x128xbf16>
    %slice3A_296 = vector.extract_strided_slice %convert_element_type3A_4 {offsets = [9728, 0], sizes = [512, 128], strides = [1, 1]} : vector<10240x128xbf16> to vector<512x128xbf16>
    %dot_general3A_297 = arith.constant dense<0.000000e+00> : vector<1024x512xf32>
    %dot_general3A_298 = tpu.matmul %get3A_7, %slice3A_296, %dot_general3A_297 {dimension_numbers = #tpu.dot_dimension_numbers<[1], [1], [0], [0], [0, 0, 1, 0], [], []>, transpose_lhs_hint = false} : vector<1024x128xbf16>, vector<512x128xbf16>, vector<1024x512xf32> -> vector<1024x512xf32>
    %convert_element_type3A_299 = arith.truncf %dot_general3A_298 : vector<1024x512xf32> to vector<1024x512xbf16>
    %exp23A_300 = math.exp2 %convert_element_type3A_299 : vector<1024x512xbf16>
    %mul3A_301 = arith.constant 10240 : i32
    %mul3A_302 = arith.muli %arg0, %mul3A_301 : i32
    %add3A_303 = arith.constant 9728 : i32
    %add3A_304 = arith.addi %mul3A_302, %add3A_303 : i32
    %iota3A_305 = tpu.iota {dimensions = array<i32: 1>} : vector<1024x512xi32>
    %add3A_306 = vector.broadcast %add3A_304 : i32 to vector<1024x512xi32>
    %add3A_307 = arith.addi %add3A_306, %iota3A_305 : vector<1024x512xi32>
    %lt3A_308 = arith.constant 100000 : i32
    %lt3A_309 = vector.broadcast %lt3A_308 : i32 to vector<1024x512xi32>
    %lt3A_310 = arith.cmpi slt, %add3A_307, %lt3A_309 : vector<1024x512xi32>
    %jit3A_311 = arith.constant 0.000000e+00 : bf16
    %broadcast_in_dim3A_312 = vector.broadcast %jit3A_311 : bf16 to vector<1024x512xbf16>
    %select_n3A_313 = arith.select %lt3A_310, %exp23A_300, %broadcast_in_dim3A_312 : vector<1024x512xi1>, vector<1024x512xbf16>
    %slice3A_314 = vector.extract_strided_slice %select_n3A_313 {offsets = [0, 0], sizes = [1024, 128], strides = [1, 1]} : vector<1024x512xbf16> to vector<1024x128xbf16>
    %slice3A_315 = vector.extract_strided_slice %select_n3A_313 {offsets = [0, 128], sizes = [1024, 128], strides = [1, 1]} : vector<1024x512xbf16> to vector<1024x128xbf16>
    %slice3A_316 = vector.extract_strided_slice %select_n3A_313 {offsets = [0, 256], sizes = [1024, 128], strides = [1, 1]} : vector<1024x512xbf16> to vector<1024x128xbf16>
    %slice3A_317 = vector.extract_strided_slice %select_n3A_313 {offsets = [0, 384], sizes = [1024, 128], strides = [1, 1]} : vector<1024x512xbf16> to vector<1024x128xbf16>
    %add3A_318 = arith.addf %slice3A_314, %slice3A_315 : vector<1024x128xbf16>
    %add3A_319 = arith.addf %slice3A_316, %slice3A_317 : vector<1024x128xbf16>
    %add3A_320 = arith.addf %add3A_318, %add3A_319 : vector<1024x128xbf16>
    %add3A_321 = arith.addf %add3A_295, %add3A_320 : vector<1024x128xbf16>
    %get3A_322 = arith.constant 0 : index
    %get3A_323 = arith.constant 0 : index
    %get3A_324 = vector.load %arg5[%get3A_322, %get3A_323] : memref<1024x128xf32, #tpu.memory_space<vmem>>, vector<1024x128xf32>
    %convert_element_type3A_325 = arith.extf %add3A_321 : vector<1024x128xbf16> to vector<1024x128xf32>
    %add3A_326 = arith.addf %get3A_324, %convert_element_type3A_325 : vector<1024x128xf32>
    %swap3A = arith.constant 0 : index
    %swap3A_327 = arith.constant 0 : index
    %swap3A_328 = vector.load %arg5[%swap3A, %swap3A_327] : memref<1024x128xf32, #tpu.memory_space<vmem>>, vector<1024x128xf32>
    tpu.vector_store %arg5[%swap3A, %swap3A_327], %add3A_326 {strides = array<i32>} : memref<1024x128xf32, #tpu.memory_space<vmem>>, vector<1024x128xf32>,
    %eq3A_329 = arith.constant 9 : i32
    %eq3A_330 = arith.cmpi eq, %arg0, %eq3A_329 : i32
    %convert_element_type3A_331 = arith.extui %eq3A_330 : i1 to i32
    %cond3A_332 = arith.constant 0 : i32
    %cond3A_333 = arith.cmpi ne, %convert_element_type3A_331, %cond3A_332 : i32
    scf.if %cond3A_333 {
      %get3A_334 = arith.constant 0 : index
      %get3A_335 = arith.constant 0 : index
      %get3A_336 = vector.load %arg5[%get3A_334, %get3A_335] : memref<1024x128xf32, #tpu.memory_space<vmem>>, vector<1024x128xf32>
      %swap3A_337 = arith.constant 0 : index
      %swap3A_338 = arith.constant 0 : index
      %swap3A_339 = vector.load %arg3[%swap3A_337, %swap3A_338] : memref<1024x128xf32, #tpu.memory_space<vmem>>, vector<1024x128xf32>
      tpu.vector_store %arg3[%swap3A_337, %swap3A_338], %get3A_336 {strides = array<i32>} : memref<1024x128xf32, #tpu.memory_space<vmem>>, vector<1024x128xf32>,
    } else {
    }
    return
  }
  func.func @transform_0(%arg0: i32) -> (i32, i32) {
    %c0_i32 = arith.constant 0 : i32
    %c0_i32_0 = arith.constant 0 : i32
    %c0_i32_1 = arith.constant 0 : i32
    return %c0_i32, %c0_i32_0 : i32, i32
  }
  func.func @transform_1(%arg0: i32) -> (i32, i32) {
    %c0_i32 = arith.constant 0 : i32
    %c0_i32_0 = arith.constant 0 : i32
    return %arg0, %c0_i32 : i32, i32
  }
  func.func @transform_2(%arg0: i32) -> (i32, i32) {
    %c0_i32 = arith.constant 0 : i32
    %c0_i32_0 = arith.constant 0 : i32
    %c0_i32_1 = arith.constant 0 : i32
    return %c0_i32, %c0_i32_0 : i32, i32
  }
}

</mosaic_0001>

<sc_bundles>
// kernel: kernel.5.cloned.1.call-start
scs
__scs_entry_jumppad:
0x0: {  	(pc) =	sbr.rel $0x88, $3  }
0x1: {  	(tag) =	ssettag $0x0;
	lr =	simm.s32 $0x1  }
0x2: {  	[smem:$0x3F9E] =	sst lr;
	_ =	strace $0xD0000000  }
0x3: {  	_ = 	snop  }
0x4: {  	_ = 	snop  }
0x5: {  	_ = 	snop  }
0x6: {  	_ = 	snop  }
0x7: {  	_ = 	snop  }
__scs_overlays_trampoline_lowered:
0x8: {  	[smem:$0x3FAD] =	sst s0  }
0x9: {  	[smem:$0x3FAE] =	sst s1  }
0xa: {  	[smem:$0x3FAF] =	sst s2  }
0xb: {  	[smem:$0x3FB0] =	sst s3  }
0xc: {  	[smem:$0x3FB1] =	sst s4  }
0xd: {  	[smem:$0x3FB2] =	sst s5  }
0xe: {  	[smem:$0x3FB3] =	sst s6  }
0xf: {  	[smem:$0x3FB4] =	sst s7  }
0x10: {  	[smem:$0x3FB5] =	sst s8  }
0x11: {  	[smem:$0x3FB6] =	sst s9;
	s0 =	simm.s32 @!p0 $0x0  }
0x12: {  	s1 =	sld [smem:$0x3F9C];
	s0 =	simm.s32 @p0 $0x1  }
0x13: {  	[smem:$0x3FB7] =	sst s0;
	s0 =	simm.s32 @!p1 $0x0  }
0x14: {  	s2 =	sld [smem:$0x3F9B];
	s0 =	simm.s32 @p1 $0x1  }
0x15: {  	[smem:$0x3FB8] =	sst s0;
	s0 =	simm.s32 @!p2 $0x0  }
0x16: {  	s3 =	sld [smem:$0x3FDB];
	s0 =	simm.s32 @p2 $0x1  }
0x17: {  	s4 =	simm.s32 $0x1BF5;
	[smem:$0x3FBA] =	sst s0  }
0x18: {  	s0 =	sld [smem:$0x3F9D];
	_ =	swait.ge [sflag:s4], $0x0  }
0x19: {  	s7 =	sld [smem:$0x3F9E]  }
0x1a: {  	s8 =	sadd.s32 $0xFFFFE003, lr  }
0x1b: {  	s9 =	sadd.s32 $0xFFFFFEF7, lr;
	s5 =	simm.s32 $0xFFFFFFFF;
	p2 =	slt.u32 s8, $0xFFFFF086  }
0x1c: {  	p1 =	slt.u32 s9, $0xF7A;
	s5 =	simm.s32 @!p2 $0x0  }
0x1d: {  	s5 =	simm.s32 @p1 $0x1;
	p0 =	seq.s32 s7, s2  }
0x1e: {  	s7 =	smul.u32 @!p0 $0xF7A, s2;
	p2 =	seq.s32 @!p0 s5, $0x0  }
0x1f: {  	s9 =	smul.u32 $0xF7A, s1;
	s8 =	simm.s32 @!p0 $0x1BF5;
	p2 =	por !p2, p0  }
0x20: {  	[sflag:s8] =	ssyncset.s32 @!p0 $0xFFFFF086;
	s6 =	sadd.s32 @!p0 s3, s7;
	s7 =	simm.s32 @!p0 $0x108  }
0x21: {  	s3 =	sadd.s32 s3, s9;
	s6 =	sadd.s32 @!p0 $0x88, s6;
	s7 =	simm.s32 @p2 $0x1082  }
0x22: {  	[simem:s7], [sflag:s8] =	dma.local @!p0 [hbm:s6], $0xF7A  }
0x23: {  	s9 =	sor.u32 $0xD0000000, s2;
	s6 =	simm.s32 $0x108;
	_ =	swait.ge @!p0 [sflag:s8], $0x0  }
0x24: {  	s3 =	sadd.s32 $0x88, s3;
	s6 =	simm.s32 @!p1 $0x1082;
	[sflag:s4] =	ssyncset.s32 $0xFFFFF086  }
0x25: {  	[simem:s6], [sflag:s4] =	dma.local [hbm:s3], $0xF7A  }
0x26: {  	[smem:$0x3F9E] =	sst s1;
	(tag) =	ssettag s2;
	_ =	strace s9  }
0x27: {  	s1 =	sld [smem:$0x3FAE]  }
0x28: {  	s2 =	sld [smem:$0x3FAF]  }
0x29: {  	s4 =	sld [smem:$0x3FB1]  }
0x2a: {  	p0 =	seq.s32 s5, $0x0;
	s5 =	sld [smem:$0x3FB2]  }
0x2b: {  	s6 =	sld [smem:$0x3FB3]  }
0x2c: {  	s7 =	sld [smem:$0x3FB4]  }
0x2d: {  	s3 =	simm.s32 $0x108;
	s8 =	sld [smem:$0x3FB5]  }
0x2e: {  	s3 =	simm.s32 @!p0 $0x1082;
	s9 =	sld [smem:$0x3FB6]  }
0x2f: {  	lr =	sadd.s32 s0, s3;
	s0 =	sld [smem:$0x3FAD]  }
0x30: {  	s3 =	sld [smem:$0x3FB0]  }
0x31: {  	[smem:$0x3FB9] =	sst s10  }
0x32: {  	s10 =	sld [smem:$0x3FB7];
	_ =	sdelay $0x3  }
0x33: {  	p0 =	seq.s32 s10, $0x1;
	s10 =	sld [smem:$0x3FB9];
	_ =	sdelay $0x3  }
0x34: {  	[smem:$0x3FB9] =	sst s10  }
0x35: {  	s10 =	sld [smem:$0x3FB8];
	_ =	sdelay $0x3  }
0x36: {  	p1 =	seq.s32 s10, $0x1;
	s10 =	sld [smem:$0x3FB9];
	_ =	sdelay $0x3  }
0x37: {  	[smem:$0x3FB9] =	sst s10  }
0x38: {  	s10 =	sld [smem:$0x3FBA]  }
0x39: {  	_ = 	snop;
	(pc) =	sbr.ind lr, $3  }
0x3a: {  	_ = 	snop  }
0x3b: {  	_ = 	snop  }
0x3c: {  	p2 =	seq.s32 s10, $0x1;
	s10 =	sld [smem:$0x3FB9]  }
0x3d: {  	_ =	shalt  }
0x3e: {  	_ =	shalt  }
0x3f: {  	_ =	shalt  }
0x40: {  	_ =	shalt  }
0x41: {  	_ =	shalt  }
0x42: {  	_ =	shalt  }
0x43: {  	_ =	shalt  }
0x44: {  	_ =	shalt  }
0x45: {  	_ =	shalt  }
0x46: {  	_ =	shalt  }
0x47: {  	_ =	shalt  }
0x48: {  	_ =	shalt  }
0x49: {  	_ =	shalt  }
0x4a: {  	_ =	shalt  }
0x4b: {  	_ =	shalt  }
0x4c: {  	_ =	shalt  }
0x4d: {  	_ =	shalt  }
0x4e: {  	_ =	shalt  }
0x4f: {  	_ =	shalt  }
0x50: {  	_ =	shalt  }
0x51: {  	_ =	shalt  }
0x52: {  	_ =	shalt  }
0x53: {  	_ =	shalt  }
0x54: {  	_ =	shalt  }
0x55: {  	_ =	shalt  }
0x56: {  	_ =	shalt  }
0x57: {  	_ =	shalt  }
0x58: {  	_ =	shalt  }
0x59: {  	_ =	shalt  }
0x5a: {  	_ =	shalt  }
0x5b: {  	_ =	shalt  }
0x5c: {  	_ =	shalt  }
0x5d: {  	_ =	shalt  }
0x5e: {  	_ =	shalt  }
0x5f: {  	_ =	shalt  }
0x60: {  	_ =	shalt  }
0x61: {  	_ =	shalt  }
0x62: {  	_ =	shalt  }
0x63: {  	_ =	shalt  }
0x64: {  	_ =	shalt  }
0x65: {  	_ =	shalt  }
0x66: {  	_ =	shalt  }
0x67: {  	_ =	shalt  }
0x68: {  	_ =	shalt  }
0x69: {  	_ =	shalt  }
0x6a: {  	_ =	shalt  }
0x6b: {  	_ =	shalt  }
0x6c: {  	_ =	shalt  }
0x6d: {  	_ =	shalt  }
0x6e: {  	_ =	shalt  }
0x6f: {  	_ =	shalt  }
0x70: {  	_ =	shalt  }
0x71: {  	_ =	shalt  }
0x72: {  	_ =	shalt  }
0x73: {  	_ =	shalt  }
0x74: {  	_ =	shalt  }
0x75: {  	_ =	shalt  }
0x76: {  	_ =	shalt  }
0x77: {  	_ =	shalt  }
0x78: {  	_ =	shalt  }
0x79: {  	_ =	shalt  }
0x7a: {  	_ =	shalt  }
0x7b: {  	_ =	shalt  }
0x7c: {  	_ =	shalt  }
0x7d: {  	_ =	shalt  }
0x7e: {  	_ =	shalt  }
0x7f: {  	_ =	shalt  }
0x80: {  	_ =	shalt  }
0x81: {  	_ =	shalt  }
0x82: {  	_ =	shalt  }
0x83: {  	_ =	shalt  }
0x84: {  	_ =	shalt  }
0x85: {  	_ =	shalt  }
0x86: {  	_ =	shalt  }
0x87: {  	_ =	shalt  }
.Lfunc_end0:
.L_simem_size_0:
called_computation_lowered:
.L_overlay_start_0:
0x88: {  	s2 =	sld [smem:$0x3FD9]  }
0x89: {  	s3 =	sld [smem:$0x3FFE];
	_ =	sdelay $0x1  }
0x8a: {  	s1 =	srdreg.scid  }
0x8b: {  	s0 =	sand.u32 $0x1, s1  }
0x8c: {  	s17 =	sshll.u32 s0, $0xA;
	s2 =	sadd.s32 s3, s2  }
0x8d: {  	s2 =	sadd.s32 s2, s17  }
0x8e: {  	[smem:$0x3FC5] =	sst s2  }
0x8f: {  	_ = 	snop  }
0x90: {  	s2 =	sld [smem:$0x3FC8]  }
0x91: {  	s18 =	sld [smem:$0x3FC7];
	(tm) =	ssettm $0x1  }
0x92: {  	s4 =	sld [smem:$0x3FFB];
	_ =	sdelay $0x3  }
0x93: {  	_ =	strace s4  }
0x94: {  	s4 =	sld [smem:$0x3FFC];
	_ =	sdelay $0x3  }
0x95: {  	_ =	strace s4  }
0x96: {  	s4 =	sld [smem:$0x3FFD];
	_ =	sdelay $0x3  }
0x97: {  	_ =	strace s4  }
0x98: {  	_ =	strace $0x8FFFFFFF  }
0x99: {  	s19 =	sld [smem:$0x3FDB];
	_ =	sdelay $0x1  }
0x9a: {  	s5 =	simm.s32 $_scs_section_size  }
0x9b: {  	s6 =	simm.s32 $_size__tile_overlayer_lowered;
	s7 =	simm.s32 $_tile_overlayer_lowered  }
0x9c: {  	s22 =	simm.s32 $0x1BFF;
	s21 =	sshll.u32 s7, $0x1;
	s4 =	sadd.s32 s5, s19  }
0x9d: {  	s8 =	simm.s32 $0x0;
	s20 =	sshll.u32 s6, $0x1;
	s6 =	sadd.s32 s21, s4  }
0x9e: {  	[timem:s8], [sflag:s22] =	dma.local [hbm:s6], s20  }
0x9f: {  	_ =	swait.ge [sflag:s22], s20  }
0xa0: {  	s5 =	ssub.s32 $0x0, s20;
	[sflag:s22] =	ssyncset.done $0x0  }
0xa1: {  	[sflag:s22] =	ssyncadd.s32 s5;
	_ =	sdelay $0x1  }
0xa2: {  	s23 =	simm.s32 $0x1B8B  }
0xa3: {  	_ =	swait.ge [sflag:s23], $0x1  }
0xa4: {  	[sflag:s23] =	ssyncset.done $0x0  }
0xa5: {  	s25 =	simm.s32 $0x1B8E;
	s24 =	sld [smem:$0x3FFE];
	[sflag:s23] =	ssyncadd.s32 $0xFFFFFFFF  }
0xa6: {  	s26 =	simm.s32 $execute0_lowered;
	[smem:$0x3FD2] =	sst s25  }
0xa7: {  	s6 =	sshll.u32 s26, $0x1;
	_ =	strace $0x80000046;
	[dreg:$0x1] =	wrdreg $0xFFFFFFFF  }
0xa8: {  	s28 =	simm.s32 $_size_execute0_lowered;
	s4 =	sadd.s32 s4, s6;
	[dreg:$0x0] =	wrdreg $0x0  }
0xa9: {  	s6 =	sshll.u32 s28, $0x1;
	[dreg:$0x2] =	wrdreg s4  }
0xaa: {  	[dreg:$0x3] =	wrdreg s6  }
0xab: {  	[dreg:$0x4] =	wrdreg $0xC0  }
0xac: {  	_ =	task [dreg:s8], $0x5FFFF  }
0xad: {  	[dreg:$0x1] =	wrdreg $0xFFFFFFFF  }
0xae: {  	[dreg:$0x0] =	wrdreg $0x60  }
0xaf: {  	[dreg:$0x2] =	wrdreg s18  }
0xb0: {  	[dreg:$0x3] =	wrdreg s2  }
0xb1: {  	[dreg:$0x4] =	wrdreg s24  }
0xb2: {  	[dreg:$0x5] =	wrdreg $0x9  }
0xb3: {  	_ =	task.clear_ibuf [dreg:s8], $0x6FFFF;
	_ =	strace $0x90000046  }
0xb4: {  	s29 =	simm.s32 $0x9;
	_ =	strace $0x80000048  }
0xb5: {  	_ =	swait.ge [sflag:s29], $0x1  }
0xb6: {  	[sflag:s29] =	ssyncadd.s32 $0xFFFFFFFF  }
0xb7: {  	_ =	strace $0x90000048  }
0xb8: {  	_ =	sfence  }
0xb9: {  	s30 =	sld [smem:$0x0];
	_ =	sdelay $0x2  }
0xba: {  	s31 =	sshll.u32 s1, $0xD;
	s1 =	sshrl.u32 s1, $0x2  }
0xbb: {  	s3 =	sand.u32 $0x4000, s31;
	s1 =	sadd.s32 s1, s30  }
0xbc: {  	s0 =	sor.u32 s3, s0;
	s1 =	sshll.u32 s1, $0x11  }
0xbd: {  	s0 =	sor.u32 s1, s0  }
0xbe: {  	s0 =	sadd.s32 $0x8F2B, s0  }
0xbf: {  	[sflag:s0] =	ssyncadd.remote.s32 $0x1  }
0xc0: {  	_ =	sfence.sel $0xFFFF  }
0xc1: {  	[dreg:$0x0] =	wrdreg $0xFFFFFFFF;
	(pc) =	sbr.abs _section_cstart, $3  }
0xc2: {  	[dreg:$0x1] =	wrdreg $0xFFFFFFFF  }
0xc3: {  	_ =	task.clear_ibuf [dreg:s8], $0x2FFFF;
	_ =	strace $0x9FFFFFFF  }
0xc4: {  	(tm) =	ssettm $0x7FFFFFFF  }
0xc5: {  	_ =	shalt  }
tec
execute0_lowered:
.L_overlay_start_1:
0x0: {  	(tag) =	ssettag $0x1  }
0x1: {  	s1 =	rddreg [dreg:$0x0];
	s2 =	srdreg.scid  }
0x2: {  	s4 =	rddreg [dreg:$0x1];
	s0 =	stileid.u32  }
0x3: {  	s9 =	rddreg [dreg:$0x2];
	s3 =	simm.s32 $0x0;
	s6 =	sand.u32 $0x1, s2  }
0x4: {  	s5 =	sshll.u32 s0, $0x6;
	s2 =	rddreg [dreg:$0x3];
	s7 =	sshll.u32 s6, $0x5  }
0x5: {  	s8 =	simm.s32 $0x1;
	[smem:$0x7FF] =	sst s3;
	s10 =	sor.u32 s7, s5  }
0x6: {  	_ =	strace $0x80000047;
	s11 =	ssub.s32 $0x2, s6;
	s5 =	sshrl.u32 s10, $0x3  }
0x7: {  	s6 =	simm.s32 $0x20;
	s5 =	sadd.s32 s4, s5;
	s4 =	simm.s32 $0x2  }
0x8: {  	[tilespmem:s3], [sflag:$0x2] =	stream.linear.gather [hbm4b:s5+s3], $0x20, $0x38;
	[tilespmem:$0x1080] =	vst v63  }
0x9: {  	s7 =	simm.s32 $0x80;
	s12 =	sshrl.u32 s11, $0x1;
	_ =	swait.ge [sflag:s4], $0x20  }
0xa: {  	s10 =	sshll.u32 s10, $0x4;
	s31 =	ssub.s32 s11, s12;
	[sflag:s4] =	ssyncset.done $0x0  }
0xb: {  	s9 =	sadd.s32 s10, s9;
	s10 =	smax.u32 s31, $0x1;
	[sflag:s4] =	ssyncadd.s32 $0xFFFFFFE0  }
0xc: {  	[tilespmem:s7], [sflag:$0x1] =	stream.indirect.gather [hbm4b:s1+s6], $0x80, s3, s6, $0xb8;
	[tilespmem:$0x1080] =	vst v63  }
0xd: {  	p0 =	sne.s32 s10, $0x1;
	_ =	swait.ge [sflag:s8], $0x1000  }
.Ltmp0:
0xe: {  	[sflag:s8] =	ssyncset.done $0x0;
	(pc) =	sbr.rel @!p0 .LBB2_2-.Ltmp0, $4  }
0xf: {  	s9 =	sadd.s32 $0x800, s9;
	[sflag:s8] =	ssyncadd.s32 $0xFFFFF000  }
0x10: {  	[hbm4b:s9+s3] =	stream.linear.scatter [tilespmem:s7], [sflag:$0x2], $0x1000, $0x38;
	[tilespmem:$0x1080] =	vst v63  }
0x11: {  	_ =	swait.ge [sflag:s4], $0x1000  }
0x12: {  	s10 =	sadd.s32 $0xFFFFFFFF, s10;
	[sflag:s4] =	ssyncset.done $0x0  }
.LBB2_1:
0x13: {  	p0 =	sne.s32 s10, $0x1;
	s10 =	sadd.s32 $0xFFFFFFFF, s10;
	[sflag:s4] =	ssyncadd.s32 $0xFFFFF000  }
0x14: {  	[tilespmem:s3], [sflag:$0x2] =	stream.linear.gather [hbm4b:s5+s3], $0x20, $0x38;
	[tilespmem:$0x1080] =	vst v63  }
0x15: {  	_ =	swait.ge [sflag:s4], $0x20  }
0x16: {  	[sflag:s4] =	ssyncset.done $0x0  }
0x17: {  	[sflag:s4] =	ssyncadd.s32 $0xFFFFFFE0  }
0x18: {  	[tilespmem:s7], [sflag:$0x1] =	stream.indirect.gather [hbm4b:s1+s6], $0x80, s3, s6, $0xb8;
	[tilespmem:$0x1080] =	vst v63  }
0x19: {  	_ =	swait.ge [sflag:s8], $0x1000  }
.Ltmp1:
0x1a: {  	[sflag:s8] =	ssyncset.done $0x0;
	(pc) =	sbr.rel @p0 .LBB2_1-.Ltmp1, $4  }
0x1b: {  	[sflag:s8] =	ssyncadd.s32 $0xFFFFF000  }
0x1c: {  	[hbm4b:s9+s3] =	stream.linear.scatter [tilespmem:s7], [sflag:$0x2], $0x1000, $0x38;
	[tilespmem:$0x1080] =	vst v63  }
0x1d: {  	_ =	swait.ge [sflag:s4], $0x1000  }
0x1e: {  	[sflag:s4] =	ssyncset.done $0x0  }
.LBB2_2:
0x1f: {  	[sflag:s4] =	ssyncadd.s32 $0xFFFFF000  }
0x20: {  	_ =	sfence.sel $0x180000  }
0x21: {  	[bflag:$0x0] =	sbarrier.arrive $0xFFFF  }
0x22: {  	p0 =	sne.s32 s0, $0x0;
	_ =	strace $0x90000047  }
0x23: {  	s0 =	sadd.s32 @!p0 $0x100000, s2;
	[bflag:$0x2] =	sbarrier.arrive $0xFFFF  }
0x24: {  	[sflag:s0] =	ssyncadd.tile.s32 @!p0 $0x1;
	_ =	shalt  }
.Lfunc_end2:
_tile_overlayer_lowered:
.L_overlay_start_2:
0x25: {  	(tag) =	ssettag $0x2  }
0x26: {  	s0 =	rddreg [dreg:$0x0];
	s2 =	stileid.u32  }
0x27: {  	s1 =	rddreg [dreg:$0x1];
	p0 =	sne.s32 s2, $0x0  }
0x28: {  	s3 =	rddreg [dreg:$0x2];
	[bflag:$0x3] =	sbarrier.arrive $0xFFFF;
	s2 =	simm.s32 @!p0 $0x1C02  }
0x29: {  	[timem:s3], [sflag:s2] =	dma.local @!p0 [hbm:s0], s1  }
0x2a: {  	s0 =	simm.s32 @!p0 $0x2  }
0x2b: {  	_ =	swait.ge @!p0 [sflag:s0], s1  }
0x2c: {  	s1 =	ssub.s32 @!p0 $0x0, s1;
	[sflag:s0] =	ssyncset.done @!p0 $0x0  }
0x2d: {  	[sflag:s0] =	ssyncadd.s32 @!p0 s1  }
0x2e: {  	[bflag:$0x3] =	sbarrier.arrive $0xFFFF  }
0x2f: {  	_ =	shalt  }

</sc_bundles>
